<compile_context>
chip_gen: v7x
topology: tpu7x:2x2x1
jax: 0.10.2.dev20260603
libtpu: 0.0.44.dev20260713+nightly
codegen_flags: <defaults>
</compile_context>

<pallas_src>
import functools

import jax
import jax.numpy as jnp
from jax import lax
from jax.experimental import pallas as pl
from jax.experimental.pallas import tpu as pltpu
from jax.experimental.pallas import tpu_sc as plsc

N = 10000
E = 320000
D_NODE = 128
D_EDGE = 16
D_MODEL = 128

_NC = 2
_NS = 16
_NW = _NC * _NS

_CHUNK = 128
_NCHUNKS = E // _CHUNK
_BASE_ITERS = _NCHUNKS // _NW
_EXTRA = _NCHUNKS - _BASE_ITERS * _NW
_LANES = 16


def _node_proj_body(x_ref, w_ref, o_ref):
    o_ref[...] = jnp.dot(x_ref[...], w_ref[...],
                         preferred_element_type=jnp.float32)


def _node_proj(x_node, W_node):
    blk = 2000
    return pl.pallas_call(
        _node_proj_body,
        grid=(N // blk,),
        in_specs=[
            pl.BlockSpec((blk, D_NODE), lambda i: (i, 0)),
            pl.BlockSpec((D_NODE, D_MODEL), lambda i: (0, 0)),
        ],
        out_specs=pl.BlockSpec((blk, D_MODEL), lambda i: (i, 0)),
        out_shape=jax.ShapeDtypeStruct((N, D_MODEL), jnp.float32),
    )(x_node, W_node)


def _gather_body(table_hbm, src_hbm, dst_hbm, s_hbm,
                 idx_s0, idx_d0, rs0, rd0, o0,
                 idx_s1, idx_d1, rs1, rd1, o1,
                 gsem0, gsem1, wsem0, wsem1):
    wid = lax.axis_index("s") * _NC + lax.axis_index("c")
    nk = _BASE_ITERS + (wid < _EXTRA).astype(jnp.int32)
    npairs = (nk + 1) // 2

    slots = (
        (idx_s0, idx_d0, rs0, rd0, o0, gsem0, wsem0),
        (idx_s1, idx_d1, rs1, rd1, o1, gsem1, wsem1),
    )

    def body(i, carry):
        for slot in (0, 1):
            idx_s, idx_d, rs, rd, o, gsem, wsem = slots[slot]
            k = 2 * i + slot

            @pl.when(k < nk)
            def _start():
                grp = wid + k * _NW
                pltpu.sync_copy(src_hbm.at[grp], idx_s)
                pltpu.sync_copy(dst_hbm.at[grp], idx_d)
                pltpu.async_copy(table_hbm.at[idx_s], rs, gsem)
                pltpu.async_copy(table_hbm.at[idx_d], rd, gsem)

        for slot in (0, 1):
            idx_s, idx_d, rs, rd, o, gsem, wsem = slots[slot]
            k = 2 * i + slot

            @pl.when(k < nk)
            def _process():
                grp = wid + k * _NW
                pltpu.make_async_copy(table_hbm.at[idx_s], rs, gsem).wait()
                pltpu.make_async_copy(table_hbm.at[idx_d], rd, gsem).wait()

                @pl.when(i > 0)
                def _drain():
                    pltpu.make_async_copy(s_hbm.at[0], o, wsem).wait()

                def addrow(r, c):
                    for j in range(D_MODEL // _LANES):
                        sl = pl.ds(j * _LANES, _LANES)
                        o[r, sl] = rs[r, sl] + rd[r, sl]
                    return c

                lax.fori_loop(0, _CHUNK, addrow, 0)
                pltpu.async_copy(o, s_hbm.at[grp], wsem)

        return carry

    lax.fori_loop(0, npairs, body, 0)

    pltpu.make_async_copy(s_hbm.at[0], o0, wsem0).wait()
    pltpu.make_async_copy(s_hbm.at[0], o1, wsem1).wait()


_gather = functools.partial(
    pl.kernel,
    mesh=plsc.VectorSubcoreMesh(core_axis_name="c", subcore_axis_name="s"),
    out_type=jax.ShapeDtypeStruct((_NCHUNKS, _CHUNK, D_MODEL), jnp.float32),
    scratch_types=[
        pltpu.VMEM((_CHUNK,), jnp.int32),
        pltpu.VMEM((_CHUNK,), jnp.int32),
        pltpu.VMEM((_CHUNK, D_MODEL), jnp.float32),
        pltpu.VMEM((_CHUNK, D_MODEL), jnp.float32),
        pltpu.VMEM((_CHUNK, D_MODEL), jnp.float32),
        pltpu.VMEM((_CHUNK,), jnp.int32),
        pltpu.VMEM((_CHUNK,), jnp.int32),
        pltpu.VMEM((_CHUNK, D_MODEL), jnp.float32),
        pltpu.VMEM((_CHUNK, D_MODEL), jnp.float32),
        pltpu.VMEM((_CHUNK, D_MODEL), jnp.float32),
        pltpu.SemaphoreType.DMA,
        pltpu.SemaphoreType.DMA,
        pltpu.SemaphoreType.DMA,
        pltpu.SemaphoreType.DMA,
    ],
)(_gather_body)


def _combine_body(xe_ref, s_ref, we_ref, be_ref, bn_ref,
                  gamma_ref, beta_ref, o_ref):
    h = lax.dot_general(xe_ref[...], we_ref[...],
                        (((0,), (0,)), ((), ())),
                        preferred_element_type=jnp.float32)
    h = h + s_ref[...] * 0.5 + be_ref[...] + bn_ref[...]
    mean = jnp.mean(h, axis=1, keepdims=True)
    d = h - mean
    var = jnp.mean(d * d, axis=1, keepdims=True)
    o_ref[...] = d * lax.rsqrt(var + 1e-5) * gamma_ref[...] + beta_ref[...]


def _combine(x_edge, s, W_edge, b_edge, b_node, gamma, beta):
    blk = 3200
    vec = pl.BlockSpec((1, D_MODEL), lambda i: (0, 0))
    return pl.pallas_call(
        _combine_body,
        grid=(E // blk,),
        in_specs=[
            pl.BlockSpec((D_EDGE, blk), lambda i: (0, i)),
            pl.BlockSpec((blk, D_MODEL), lambda i: (i, 0)),
            pl.BlockSpec((D_EDGE, D_MODEL), lambda i: (0, 0)),
            vec, vec, vec, vec,
        ],
        out_specs=pl.BlockSpec((blk, D_MODEL), lambda i: (i, 0)),
        out_shape=jax.ShapeDtypeStruct((E, D_MODEL), jnp.float32),
    )(x_edge, s, W_edge, b_edge, b_node, gamma, beta)


def kernel(x_node, x_edge, edge_index, W_edge, b_edge, W_node, b_node, gamma, beta):
    table = _node_proj(x_node, W_node)

    src2d = edge_index[0].reshape(_NCHUNKS, _CHUNK)
    dst2d = edge_index[1].reshape(_NCHUNKS, _CHUNK)
    s = _gather(table, src2d, dst2d).reshape(E, D_MODEL)

    return _combine(x_edge.T, s, W_edge,
                    b_edge.reshape(1, D_MODEL), b_node.reshape(1, D_MODEL),
                    gamma.reshape(1, D_MODEL), beta.reshape(1, D_MODEL))

# --- scband reference (transcript-rebuilt; emitter-appended) ---
"""Pipeline reference for scband-dual-embedding-58110907515103 (READ-ONLY COPY).

The authoritative reference and input builder live on the scoring server;
editing this copy changes nothing except your own understanding.
"""

import jax, jax.numpy as jnp
import numpy as np

N, E, D_NODE, D_EDGE, D_MODEL = 10000, 320000, 128, 16, 128

def setup_inputs(seed: int = 0) -> dict:
    key = jax.random.key(seed)
    ks = jax.random.split(key, 9)
    x_node = jax.random.normal(ks[0], (N, D_NODE), dtype=jnp.float32)
    x_edge = jax.random.normal(ks[1], (E, D_EDGE), dtype=jnp.float32)
    edge_index = jax.random.randint(ks[2], (2, E), 0, N, dtype=jnp.int32)
    W_edge = jax.random.normal(ks[3], (D_EDGE, D_MODEL), dtype=jnp.float32) / np.sqrt(D_EDGE)
    b_edge = jax.random.normal(ks[4], (D_MODEL,), dtype=jnp.float32) * 0.01
    W_node = jax.random.normal(ks[5], (D_NODE, D_MODEL), dtype=jnp.float32) / np.sqrt(D_NODE)
    b_node = jax.random.normal(ks[6], (D_MODEL,), dtype=jnp.float32) * 0.01
    gamma = jnp.ones((D_MODEL,), dtype=jnp.float32)
    beta = jnp.zeros((D_MODEL,), dtype=jnp.float32)
    return {"x_node": x_node, "x_edge": x_edge, "edge_index": edge_index,
            "W_edge": W_edge, "b_edge": b_edge, "W_node": W_node, "b_node": b_node,
            "gamma": gamma, "beta": beta}

def _layernorm(h, gamma, beta, eps=1e-5):
    mean = jnp.mean(h, axis=-1, keepdims=True)
    var = jnp.var(h, axis=-1, keepdims=True)
    return (h - mean) / jnp.sqrt(var + eps) * gamma + beta

def reference(x_node, x_edge, edge_index, W_edge, b_edge, W_node, b_node, gamma, beta):
    src = edge_index[0]
    dst = edge_index[1]
    h_edge = x_edge.astype(jnp.float32) @ W_edge + b_edge
    h_src = jnp.take(x_node, src, axis=0) @ W_node + b_node
    h_dst = jnp.take(x_node, dst, axis=0) @ W_node + b_node
    h_endpoints = (h_src + h_dst) / 2.0
    return _layernorm(h_edge + h_endpoints, gamma, beta)

if __name__ == "__main__":
    import jax
    _d = setup_inputs()
    print(jax.jit(kernel)(*tuple(_d.values())))

</pallas_src>

<mosaic_0001>
#map = affine_map<(d0, d1) -> (0, 0)>
#map1 = affine_map<(d0, d1) -> (0, 0, 0)>
module attributes {stable_mosaic.version = 14 : i64} {
  func.func @_gather_body(%arg0: i32, %arg1: i32, %arg2: memref<10000x128xf32, #tpu.memory_space<hbm>>, %arg3: memref<2500x128xi32, #tpu.memory_space<hbm>>, %arg4: memref<2500x128xi32, #tpu.memory_space<hbm>>, %arg5: memref<2500x128x128xf32, #tpu.memory_space<hbm>>, %arg6: memref<128xi32, #tpu.memory_space<vmem>>, %arg7: memref<128xi32, #tpu.memory_space<vmem>>, %arg8: memref<128x128xf32, #tpu.memory_space<vmem>>, %arg9: memref<128x128xf32, #tpu.memory_space<vmem>>, %arg10: memref<128x128xf32, #tpu.memory_space<vmem>>, %arg11: memref<128xi32, #tpu.memory_space<vmem>>, %arg12: memref<128xi32, #tpu.memory_space<vmem>>, %arg13: memref<128x128xf32, #tpu.memory_space<vmem>>, %arg14: memref<128x128xf32, #tpu.memory_space<vmem>>, %arg15: memref<128x128xf32, #tpu.memory_space<vmem>>, %arg16: memref<!tpu.dma_semaphore, #tpu.memory_space<semaphore_mem>>, %arg17: memref<!tpu.dma_semaphore, #tpu.memory_space<semaphore_mem>>, %arg18: memref<!tpu.dma_semaphore, #tpu.memory_space<semaphore_mem>>, %arg19: memref<!tpu.dma_semaphore, #tpu.memory_space<semaphore_mem>>) attributes {dimension_semantics = [#tpu.dimension_semantics<core_parallel>, #tpu.dimension_semantics<subcore_parallel>], iteration_bounds = array<i64: 2, 16>, scalar_prefetch = 0 : i64, scratch_operands = 14 : i64, tpu.core_type = #tpu.core_type<sc_vector_subcore>, window_params = [{transform_indices = #map}, {transform_indices = #map}, {transform_indices = #map}, {transform_indices = #map1}]} {
    %mul3A = arith.constant 2 : i32
    %mul3A_0 = arith.muli %arg1, %mul3A : i32
    %add3A = arith.addi %mul3A_0, %arg0 : i32
    %lt3A = arith.constant 4 : i32
    %lt3A_1 = arith.cmpi slt, %add3A, %lt3A : i32
    %convert_element_type3A = arith.extui %lt3A_1 : i1 to i32
    %add3A_2 = arith.constant 78 : i32
    %add3A_3 = arith.addi %add3A_2, %convert_element_type3A : i32
    %add3A_4 = arith.constant 1 : i32
    %add3A_5 = arith.addi %add3A_3, %add3A_4 : i32
    %jit3A = arith.constant 2 : i32
    %div3A = arith.divsi %add3A_5, %jit3A : i32
    %sign3A = arith.constant 0 : i32
    %sign3A_6 = arith.cmpi sgt, %add3A_5, %sign3A : i32
    %sign3A_7 = arith.extui %sign3A_6 : i1 to i32
    %sign3A_8 = arith.constant 0 : i32
    %sign3A_9 = arith.cmpi slt, %add3A_5, %sign3A_8 : i32
    %sign3A_10 = arith.extui %sign3A_9 : i1 to i32
    %sign3A_11 = arith.subi %sign3A_7, %sign3A_10 : i32
    %sign3A_12 = arith.constant 0 : i32
    %sign3A_13 = arith.cmpi sgt, %jit3A, %sign3A_12 : i32
    %sign3A_14 = arith.extui %sign3A_13 : i1 to i32
    %sign3A_15 = arith.constant 0 : i32
    %sign3A_16 = arith.cmpi slt, %jit3A, %sign3A_15 : i32
    %sign3A_17 = arith.extui %sign3A_16 : i1 to i32
    %sign3A_18 = arith.subi %sign3A_14, %sign3A_17 : i32
    %ne3A = arith.cmpi ne, %sign3A_11, %sign3A_18 : i32
    %rem3A = arith.remsi %add3A_5, %jit3A : i32
    %ne3A_19 = arith.constant 0 : i32
    %ne3A_20 = arith.cmpi ne, %rem3A, %ne3A_19 : i32
    %and3A = arith.andi %ne3A, %ne3A_20 : i1
    %sub3A = arith.constant 1 : i32
    %sub3A_21 = arith.subi %div3A, %sub3A : i32
    %select_n3A = arith.select %and3A, %sub3A_21, %div3A : i32
    %while3A = arith.constant 0 : i32
    %while3A_22 = arith.constant 0 : i32
    %while3A_23 = arith.subi %select_n3A, %while3A_22 : i32
    %while3A_24 = arith.addi %while3A_22, %while3A_23 : i32
    %while3A_25 = arith.constant 1 : i32
    %while3A_26 = arith.divsi %while3A_23, %while3A_25 : i32
    %while3A_27 = arith.muli %while3A_26, %while3A_25 : i32
    %while3A_28 = arith.addi %while3A_22, %while3A_27 : i32
    %while3A_29 = arith.constant 1 : i32
    scf.for %while3A_48 = %while3A_22 to %while3A_28 step %while3A_29  : i32 {
      %mul3A_49 = arith.constant 2 : i32
      %mul3A_50 = arith.muli %mul3A_49, %while3A_48 : i32
      %add3A_51 = arith.constant 0 : i32
      %add3A_52 = arith.addi %mul3A_50, %add3A_51 : i32
      %lt3A_53 = arith.cmpi slt, %add3A_52, %add3A_3 : i32
      %convert_element_type3A_54 = arith.extui %lt3A_53 : i1 to i32
      %cond3A = arith.constant 0 : i32
      %cond3A_55 = arith.cmpi ne, %convert_element_type3A_54, %cond3A : i32
      scf.if %cond3A_55 {
        %mul3A_80 = arith.constant 32 : i32
        %mul3A_81 = arith.muli %add3A_52, %mul3A_80 : i32
        %add3A_82 = arith.addi %add3A, %mul3A_81 : i32
        "tpu.region"() ({
          %run_scoped3A = tpu.sem_alloc : memref<!tpu.dma_semaphore, #tpu.memory_space<semaphore_mem>>
          %dma_start3A_88 = arith.constant 0 : i32
          %dma_start3A_89 = tpu.memref_slice %arg3[%add3A_82, %dma_start3A_88] : memref<2500x128xi32, #tpu.memory_space<hbm>> -> memref<1x128xi32, #tpu.memory_space<hbm>>
          %dma_start3A_90 = tpu.memref_squeeze %dma_start3A_89 : memref<1x128xi32, #tpu.memory_space<hbm>> -> memref<128xi32, #tpu.memory_space<hbm>>
          %dma_start3A_91 = arith.constant 0 : i32
          %dma_start3A_92 = tpu.memref_slice %arg3[%add3A_82, %dma_start3A_91] : memref<2500x128xi32, #tpu.memory_space<hbm>> -> memref<1x128xi32, #tpu.memory_space<hbm>>
          %dma_start3A_93 = tpu.memref_squeeze %dma_start3A_92 : memref<1x128xi32, #tpu.memory_space<hbm>> -> memref<128xi32, #tpu.memory_space<hbm>>
          tpu.enqueue_dma source(%dma_start3A_93 : memref<128xi32, #tpu.memory_space<hbm>>) target(%arg6 : memref<128xi32, #tpu.memory_space<vmem>>) target_semaphore(%run_scoped3A : memref<!tpu.dma_semaphore, #tpu.memory_space<semaphore_mem>>)
          %dma_wait3A_94 = arith.constant 0 : i32
          %dma_wait3A_95 = tpu.memref_slice %arg3[%add3A_82, %dma_wait3A_94] : memref<2500x128xi32, #tpu.memory_space<hbm>> -> memref<1x128xi32, #tpu.memory_space<hbm>>
          %dma_wait3A_96 = tpu.memref_squeeze %dma_wait3A_95 : memref<1x128xi32, #tpu.memory_space<hbm>> -> memref<128xi32, #tpu.memory_space<hbm>>
          %dma_wait3A_97 = arith.constant 0 : i32
          %dma_wait3A_98 = tpu.memref_slice %arg3[%add3A_82, %dma_wait3A_97] : memref<2500x128xi32, #tpu.memory_space<hbm>> -> memref<1x128xi32, #tpu.memory_space<hbm>>
          %dma_wait3A_99 = tpu.memref_squeeze %dma_wait3A_98 : memref<1x128xi32, #tpu.memory_space<hbm>> -> memref<128xi32, #tpu.memory_space<hbm>>
          tpu.wait_dma2 semaphore(%run_scoped3A : memref<!tpu.dma_semaphore, #tpu.memory_space<semaphore_mem>>) src(%dma_wait3A_99 : memref<128xi32, #tpu.memory_space<hbm>>) dst(%arg6 : memref<128xi32, #tpu.memory_space<vmem>>)
          tpu.yield
        }) : () -> ()
        "tpu.region"() ({
          %run_scoped3A = tpu.sem_alloc : memref<!tpu.dma_semaphore, #tpu.memory_space<semaphore_mem>>
          %dma_start3A_88 = arith.constant 0 : i32
          %dma_start3A_89 = tpu.memref_slice %arg4[%add3A_82, %dma_start3A_88] : memref<2500x128xi32, #tpu.memory_space<hbm>> -> memref<1x128xi32, #tpu.memory_space<hbm>>
          %dma_start3A_90 = tpu.memref_squeeze %dma_start3A_89 : memref<1x128xi32, #tpu.memory_space<hbm>> -> memref<128xi32, #tpu.memory_space<hbm>>
          %dma_start3A_91 = arith.constant 0 : i32
          %dma_start3A_92 = tpu.memref_slice %arg4[%add3A_82, %dma_start3A_91] : memref<2500x128xi32, #tpu.memory_space<hbm>> -> memref<1x128xi32, #tpu.memory_space<hbm>>
          %dma_start3A_93 = tpu.memref_squeeze %dma_start3A_92 : memref<1x128xi32, #tpu.memory_space<hbm>> -> memref<128xi32, #tpu.memory_space<hbm>>
          tpu.enqueue_dma source(%dma_start3A_93 : memref<128xi32, #tpu.memory_space<hbm>>) target(%arg7 : memref<128xi32, #tpu.memory_space<vmem>>) target_semaphore(%run_scoped3A : memref<!tpu.dma_semaphore, #tpu.memory_space<semaphore_mem>>)
          %dma_wait3A_94 = arith.constant 0 : i32
          %dma_wait3A_95 = tpu.memref_slice %arg4[%add3A_82, %dma_wait3A_94] : memref<2500x128xi32, #tpu.memory_space<hbm>> -> memref<1x128xi32, #tpu.memory_space<hbm>>
          %dma_wait3A_96 = tpu.memref_squeeze %dma_wait3A_95 : memref<1x128xi32, #tpu.memory_space<hbm>> -> memref<128xi32, #tpu.memory_space<hbm>>
          %dma_wait3A_97 = arith.constant 0 : i32
          %dma_wait3A_98 = tpu.memref_slice %arg4[%add3A_82, %dma_wait3A_97] : memref<2500x128xi32, #tpu.memory_space<hbm>> -> memref<1x128xi32, #tpu.memory_space<hbm>>
          %dma_wait3A_99 = tpu.memref_squeeze %dma_wait3A_98 : memref<1x128xi32, #tpu.memory_space<hbm>> -> memref<128xi32, #tpu.memory_space<hbm>>
          tpu.wait_dma2 semaphore(%run_scoped3A : memref<!tpu.dma_semaphore, #tpu.memory_space<semaphore_mem>>) src(%dma_wait3A_99 : memref<128xi32, #tpu.memory_space<hbm>>) dst(%arg7 : memref<128xi32, #tpu.memory_space<vmem>>)
          tpu.yield
        }) : () -> ()
        %dma_start3A = arith.constant 0 : i32
        %dma_start3A_83 = arith.constant 0 : i32
        %dma_start3A_84 = tpu.memref_slice %arg2[%dma_start3A, %dma_start3A_83] : memref<10000x128xf32, #tpu.memory_space<hbm>> -> memref<10000x128xf32, #tpu.memory_space<hbm>>
        tpu.enqueue_indirect_dma source(%dma_start3A_84 : memref<10000x128xf32, #tpu.memory_space<hbm>>) target(%arg8 : memref<128x128xf32, #tpu.memory_space<vmem>>) offsets(%arg6 : memref<128xi32, #tpu.memory_space<vmem>>) semaphore(%arg16 : memref<!tpu.dma_semaphore, #tpu.memory_space<semaphore_mem>>)
        %dma_start3A_85 = arith.constant 0 : i32
        %dma_start3A_86 = arith.constant 0 : i32
        %dma_start3A_87 = tpu.memref_slice %arg2[%dma_start3A_85, %dma_start3A_86] : memref<10000x128xf32, #tpu.memory_space<hbm>> -> memref<10000x128xf32, #tpu.memory_space<hbm>>
        tpu.enqueue_indirect_dma source(%dma_start3A_87 : memref<10000x128xf32, #tpu.memory_space<hbm>>) target(%arg9 : memref<128x128xf32, #tpu.memory_space<vmem>>) offsets(%arg7 : memref<128xi32, #tpu.memory_space<vmem>>) semaphore(%arg16 : memref<!tpu.dma_semaphore, #tpu.memory_space<semaphore_mem>>)
      } else {
      }
      %mul3A_56 = arith.constant 2 : i32
      %mul3A_57 = arith.muli %mul3A_56, %while3A_48 : i32
      %add3A_58 = arith.constant 1 : i32
      %add3A_59 = arith.addi %mul3A_57, %add3A_58 : i32
      %lt3A_60 = arith.cmpi slt, %add3A_59, %add3A_3 : i32
      %convert_element_type3A_61 = arith.extui %lt3A_60 : i1 to i32
      %cond3A_62 = arith.constant 0 : i32
      %cond3A_63 = arith.cmpi ne, %convert_element_type3A_61, %cond3A_62 : i32
      scf.if %cond3A_63 {
        %mul3A_80 = arith.constant 32 : i32
        %mul3A_81 = arith.muli %add3A_59, %mul3A_80 : i32
        %add3A_82 = arith.addi %add3A, %mul3A_81 : i32
        "tpu.region"() ({
          %run_scoped3A = tpu.sem_alloc : memref<!tpu.dma_semaphore, #tpu.memory_space<semaphore_mem>>
          %dma_start3A_88 = arith.constant 0 : i32
          %dma_start3A_89 = tpu.memref_slice %arg3[%add3A_82, %dma_start3A_88] : memref<2500x128xi32, #tpu.memory_space<hbm>> -> memref<1x128xi32, #tpu.memory_space<hbm>>
          %dma_start3A_90 = tpu.memref_squeeze %dma_start3A_89 : memref<1x128xi32, #tpu.memory_space<hbm>> -> memref<128xi32, #tpu.memory_space<hbm>>
          %dma_start3A_91 = arith.constant 0 : i32
          %dma_start3A_92 = tpu.memref_slice %arg3[%add3A_82, %dma_start3A_91] : memref<2500x128xi32, #tpu.memory_space<hbm>> -> memref<1x128xi32, #tpu.memory_space<hbm>>
          %dma_start3A_93 = tpu.memref_squeeze %dma_start3A_92 : memref<1x128xi32, #tpu.memory_space<hbm>> -> memref<128xi32, #tpu.memory_space<hbm>>
          tpu.enqueue_dma source(%dma_start3A_93 : memref<128xi32, #tpu.memory_space<hbm>>) target(%arg11 : memref<128xi32, #tpu.memory_space<vmem>>) target_semaphore(%run_scoped3A : memref<!tpu.dma_semaphore, #tpu.memory_space<semaphore_mem>>)
          %dma_wait3A_94 = arith.constant 0 : i32
          %dma_wait3A_95 = tpu.memref_slice %arg3[%add3A_82, %dma_wait3A_94] : memref<2500x128xi32, #tpu.memory_space<hbm>> -> memref<1x128xi32, #tpu.memory_space<hbm>>
          %dma_wait3A_96 = tpu.memref_squeeze %dma_wait3A_95 : memref<1x128xi32, #tpu.memory_space<hbm>> -> memref<128xi32, #tpu.memory_space<hbm>>
          %dma_wait3A_97 = arith.constant 0 : i32
          %dma_wait3A_98 = tpu.memref_slice %arg3[%add3A_82, %dma_wait3A_97] : memref<2500x128xi32, #tpu.memory_space<hbm>> -> memref<1x128xi32, #tpu.memory_space<hbm>>
          %dma_wait3A_99 = tpu.memref_squeeze %dma_wait3A_98 : memref<1x128xi32, #tpu.memory_space<hbm>> -> memref<128xi32, #tpu.memory_space<hbm>>
          tpu.wait_dma2 semaphore(%run_scoped3A : memref<!tpu.dma_semaphore, #tpu.memory_space<semaphore_mem>>) src(%dma_wait3A_99 : memref<128xi32, #tpu.memory_space<hbm>>) dst(%arg11 : memref<128xi32, #tpu.memory_space<vmem>>)
          tpu.yield
        }) : () -> ()
        "tpu.region"() ({
          %run_scoped3A = tpu.sem_alloc : memref<!tpu.dma_semaphore, #tpu.memory_space<semaphore_mem>>
          %dma_start3A_88 = arith.constant 0 : i32
          %dma_start3A_89 = tpu.memref_slice %arg4[%add3A_82, %dma_start3A_88] : memref<2500x128xi32, #tpu.memory_space<hbm>> -> memref<1x128xi32, #tpu.memory_space<hbm>>
          %dma_start3A_90 = tpu.memref_squeeze %dma_start3A_89 : memref<1x128xi32, #tpu.memory_space<hbm>> -> memref<128xi32, #tpu.memory_space<hbm>>
          %dma_start3A_91 = arith.constant 0 : i32
          %dma_start3A_92 = tpu.memref_slice %arg4[%add3A_82, %dma_start3A_91] : memref<2500x128xi32, #tpu.memory_space<hbm>> -> memref<1x128xi32, #tpu.memory_space<hbm>>
          %dma_start3A_93 = tpu.memref_squeeze %dma_start3A_92 : memref<1x128xi32, #tpu.memory_space<hbm>> -> memref<128xi32, #tpu.memory_space<hbm>>
          tpu.enqueue_dma source(%dma_start3A_93 : memref<128xi32, #tpu.memory_space<hbm>>) target(%arg12 : memref<128xi32, #tpu.memory_space<vmem>>) target_semaphore(%run_scoped3A : memref<!tpu.dma_semaphore, #tpu.memory_space<semaphore_mem>>)
          %dma_wait3A_94 = arith.constant 0 : i32
          %dma_wait3A_95 = tpu.memref_slice %arg4[%add3A_82, %dma_wait3A_94] : memref<2500x128xi32, #tpu.memory_space<hbm>> -> memref<1x128xi32, #tpu.memory_space<hbm>>
          %dma_wait3A_96 = tpu.memref_squeeze %dma_wait3A_95 : memref<1x128xi32, #tpu.memory_space<hbm>> -> memref<128xi32, #tpu.memory_space<hbm>>
          %dma_wait3A_97 = arith.constant 0 : i32
          %dma_wait3A_98 = tpu.memref_slice %arg4[%add3A_82, %dma_wait3A_97] : memref<2500x128xi32, #tpu.memory_space<hbm>> -> memref<1x128xi32, #tpu.memory_space<hbm>>
          %dma_wait3A_99 = tpu.memref_squeeze %dma_wait3A_98 : memref<1x128xi32, #tpu.memory_space<hbm>> -> memref<128xi32, #tpu.memory_space<hbm>>
          tpu.wait_dma2 semaphore(%run_scoped3A : memref<!tpu.dma_semaphore, #tpu.memory_space<semaphore_mem>>) src(%dma_wait3A_99 : memref<128xi32, #tpu.memory_space<hbm>>) dst(%arg12 : memref<128xi32, #tpu.memory_space<vmem>>)
          tpu.yield
        }) : () -> ()
        %dma_start3A = arith.constant 0 : i32
        %dma_start3A_83 = arith.constant 0 : i32
        %dma_start3A_84 = tpu.memref_slice %arg2[%dma_start3A, %dma_start3A_83] : memref<10000x128xf32, #tpu.memory_space<hbm>> -> memref<10000x128xf32, #tpu.memory_space<hbm>>
        tpu.enqueue_indirect_dma source(%dma_start3A_84 : memref<10000x128xf32, #tpu.memory_space<hbm>>) target(%arg13 : memref<128x128xf32, #tpu.memory_space<vmem>>) offsets(%arg11 : memref<128xi32, #tpu.memory_space<vmem>>) semaphore(%arg17 : memref<!tpu.dma_semaphore, #tpu.memory_space<semaphore_mem>>)
        %dma_start3A_85 = arith.constant 0 : i32
        %dma_start3A_86 = arith.constant 0 : i32
        %dma_start3A_87 = tpu.memref_slice %arg2[%dma_start3A_85, %dma_start3A_86] : memref<10000x128xf32, #tpu.memory_space<hbm>> -> memref<10000x128xf32, #tpu.memory_space<hbm>>
        tpu.enqueue_indirect_dma source(%dma_start3A_87 : memref<10000x128xf32, #tpu.memory_space<hbm>>) target(%arg14 : memref<128x128xf32, #tpu.memory_space<vmem>>) offsets(%arg12 : memref<128xi32, #tpu.memory_space<vmem>>) semaphore(%arg17 : memref<!tpu.dma_semaphore, #tpu.memory_space<semaphore_mem>>)
      } else {
      }
      %mul3A_64 = arith.constant 2 : i32
      %mul3A_65 = arith.muli %mul3A_64, %while3A_48 : i32
      %add3A_66 = arith.constant 0 : i32
      %add3A_67 = arith.addi %mul3A_65, %add3A_66 : i32
      %lt3A_68 = arith.cmpi slt, %add3A_67, %add3A_3 : i32
      %convert_element_type3A_69 = arith.extui %lt3A_68 : i1 to i32
      %cond3A_70 = arith.constant 0 : i32
      %cond3A_71 = arith.cmpi ne, %convert_element_type3A_69, %cond3A_70 : i32
      scf.if %cond3A_71 {
        %mul3A_80 = arith.constant 32 : i32
        %mul3A_81 = arith.muli %add3A_67, %mul3A_80 : i32
        %add3A_82 = arith.addi %add3A, %mul3A_81 : i32
        %dma_wait3A_83 = arith.constant 0 : i32
        %dma_wait3A_84 = arith.constant 0 : i32
        %dma_wait3A_85 = tpu.memref_slice %arg2[%dma_wait3A_83, %dma_wait3A_84] : memref<10000x128xf32, #tpu.memory_space<hbm>> -> memref<10000x128xf32, #tpu.memory_space<hbm>>
        tpu.wait_indirect_dma semaphore(%arg16 : memref<!tpu.dma_semaphore, #tpu.memory_space<semaphore_mem>>) src(%dma_wait3A_85 : memref<10000x128xf32, #tpu.memory_space<hbm>>) dst(%arg8 : memref<128x128xf32, #tpu.memory_space<vmem>>)
        %dma_wait3A_86 = arith.constant 0 : i32
        %dma_wait3A_87 = arith.constant 0 : i32
        %dma_wait3A_88 = tpu.memref_slice %arg2[%dma_wait3A_86, %dma_wait3A_87] : memref<10000x128xf32, #tpu.memory_space<hbm>> -> memref<10000x128xf32, #tpu.memory_space<hbm>>
        tpu.wait_indirect_dma semaphore(%arg16 : memref<!tpu.dma_semaphore, #tpu.memory_space<semaphore_mem>>) src(%dma_wait3A_88 : memref<10000x128xf32, #tpu.memory_space<hbm>>) dst(%arg9 : memref<128x128xf32, #tpu.memory_space<vmem>>)
        %gt3A = arith.constant 0 : i32
        %gt3A_89 = arith.cmpi sgt, %while3A_48, %gt3A : i32
        %convert_element_type3A_90 = arith.extui %gt3A_89 : i1 to i32
        %cond3A_91 = arith.constant 0 : i32
        %cond3A_92 = arith.cmpi ne, %convert_element_type3A_90, %cond3A_91 : i32
        scf.if %cond3A_92 {
          %dma_wait3A_105 = arith.constant 0 : i32
          %dma_wait3A_106 = arith.constant 0 : i32
          %dma_wait3A_107 = arith.constant 0 : i32
          %dma_wait3A_108 = tpu.memref_slice %arg5[%dma_wait3A_105, %dma_wait3A_106, %dma_wait3A_107] : memref<2500x128x128xf32, #tpu.memory_space<hbm>> -> memref<1x128x128xf32, #tpu.memory_space<hbm>>
          %dma_wait3A_109 = tpu.memref_squeeze %dma_wait3A_108 : memref<1x128x128xf32, #tpu.memory_space<hbm>> -> memref<128x128xf32, #tpu.memory_space<hbm>>
          %dma_wait3A_110 = arith.constant 0 : i32
          %dma_wait3A_111 = arith.constant 0 : i32
          %dma_wait3A_112 = tpu.memref_slice %arg5[%dma_wait3A_105, %dma_wait3A_110, %dma_wait3A_111] : memref<2500x128x128xf32, #tpu.memory_space<hbm>> -> memref<1x128x128xf32, #tpu.memory_space<hbm>>
          %dma_wait3A_113 = tpu.memref_squeeze %dma_wait3A_112 : memref<1x128x128xf32, #tpu.memory_space<hbm>> -> memref<128x128xf32, #tpu.memory_space<hbm>>
          tpu.wait_dma2 semaphore(%arg18 : memref<!tpu.dma_semaphore, #tpu.memory_space<semaphore_mem>>) src(%dma_wait3A_113 : memref<128x128xf32, #tpu.memory_space<hbm>>) dst(%arg10 : memref<128x128xf32, #tpu.memory_space<vmem>>)
        } else {
        }
        %scan3A = arith.constant 0 : i32
        %scan3A_93 = arith.constant 0 : i32
        %scan3A_94 = arith.constant 128 : i32
        %scan3A_95 = arith.addi %scan3A_93, %scan3A_94 : i32
        %scan3A_96 = arith.constant 1 : i32
        scf.for %scan3A_105 = %scan3A_93 to %scan3A_95 step %scan3A_96  : i32 {
          %get3A = arith.index_cast %scan3A_105 : i32 to index
          %get3A_106 = arith.constant 0 : index
          %get3A_107 = tpu.vector_load %arg8[%get3A, %get3A_106] {strides = array<i32>} : memref<128x128xf32, #tpu.memory_space<vmem>>, vector<1x16xf32>,
          %get3A_108 = vector.shape_cast %get3A_107 : vector<1x16xf32> to vector<16xf32>
          %get3A_109 = arith.index_cast %scan3A_105 : i32 to index
          %get3A_110 = arith.constant 0 : index
          %get3A_111 = tpu.vector_load %arg9[%get3A_109, %get3A_110] {strides = array<i32>} : memref<128x128xf32, #tpu.memory_space<vmem>>, vector<1x16xf32>,
          %get3A_112 = vector.shape_cast %get3A_111 : vector<1x16xf32> to vector<16xf32>
          %add3A_113 = arith.addf %get3A_108, %get3A_112 : vector<16xf32>
          %swap3A = arith.index_cast %scan3A_105 : i32 to index
          %swap3A_114 = arith.constant 0 : index
          %swap3A_115 = tpu.vector_load %arg10[%swap3A, %swap3A_114] {strides = array<i32>} : memref<128x128xf32, #tpu.memory_space<vmem>>, vector<1x16xf32>,
          %swap3A_116 = vector.shape_cast %swap3A_115 : vector<1x16xf32> to vector<16xf32>
          %swap3A_117 = vector.shape_cast %add3A_113 : vector<16xf32> to vector<1x16xf32>
          tpu.vector_store %arg10[%swap3A, %swap3A_114], %swap3A_117 {strides = array<i32>} : memref<128x128xf32, #tpu.memory_space<vmem>>, vector<1x16xf32>,
          %get3A_118 = arith.index_cast %scan3A_105 : i32 to index
          %get3A_119 = arith.constant 16 : index
          %get3A_120 = tpu.vector_load %arg8[%get3A_118, %get3A_119] {strides = array<i32>} : memref<128x128xf32, #tpu.memory_space<vmem>>, vector<1x16xf32>,
          %get3A_121 = vector.shape_cast %get3A_120 : vector<1x16xf32> to vector<16xf32>
          %get3A_122 = arith.index_cast %scan3A_105 : i32 to index
          %get3A_123 = arith.constant 16 : index
          %get3A_124 = tpu.vector_load %arg9[%get3A_122, %get3A_123] {strides = array<i32>} : memref<128x128xf32, #tpu.memory_space<vmem>>, vector<1x16xf32>,
          %get3A_125 = vector.shape_cast %get3A_124 : vector<1x16xf32> to vector<16xf32>
          %add3A_126 = arith.addf %get3A_121, %get3A_125 : vector<16xf32>
          %swap3A_127 = arith.index_cast %scan3A_105 : i32 to index
          %swap3A_128 = arith.constant 16 : index
          %swap3A_129 = tpu.vector_load %arg10[%swap3A_127, %swap3A_128] {strides = array<i32>} : memref<128x128xf32, #tpu.memory_space<vmem>>, vector<1x16xf32>,
          %swap3A_130 = vector.shape_cast %swap3A_129 : vector<1x16xf32> to vector<16xf32>
          %swap3A_131 = vector.shape_cast %add3A_126 : vector<16xf32> to vector<1x16xf32>
          tpu.vector_store %arg10[%swap3A_127, %swap3A_128], %swap3A_131 {strides = array<i32>} : memref<128x128xf32, #tpu.memory_space<vmem>>, vector<1x16xf32>,
          %get3A_132 = arith.index_cast %scan3A_105 : i32 to index
          %get3A_133 = arith.constant 32 : index
          %get3A_134 = tpu.vector_load %arg8[%get3A_132, %get3A_133] {strides = array<i32>} : memref<128x128xf32, #tpu.memory_space<vmem>>, vector<1x16xf32>,
          %get3A_135 = vector.shape_cast %get3A_134 : vector<1x16xf32> to vector<16xf32>
          %get3A_136 = arith.index_cast %scan3A_105 : i32 to index
          %get3A_137 = arith.constant 32 : index
          %get3A_138 = tpu.vector_load %arg9[%get3A_136, %get3A_137] {strides = array<i32>} : memref<128x128xf32, #tpu.memory_space<vmem>>, vector<1x16xf32>,
          %get3A_139 = vector.shape_cast %get3A_138 : vector<1x16xf32> to vector<16xf32>
          %add3A_140 = arith.addf %get3A_135, %get3A_139 : vector<16xf32>
          %swap3A_141 = arith.index_cast %scan3A_105 : i32 to index
          %swap3A_142 = arith.constant 32 : index
          %swap3A_143 = tpu.vector_load %arg10[%swap3A_141, %swap3A_142] {strides = array<i32>} : memref<128x128xf32, #tpu.memory_space<vmem>>, vector<1x16xf32>,
          %swap3A_144 = vector.shape_cast %swap3A_143 : vector<1x16xf32> to vector<16xf32>
          %swap3A_145 = vector.shape_cast %add3A_140 : vector<16xf32> to vector<1x16xf32>
          tpu.vector_store %arg10[%swap3A_141, %swap3A_142], %swap3A_145 {strides = array<i32>} : memref<128x128xf32, #tpu.memory_space<vmem>>, vector<1x16xf32>,
          %get3A_146 = arith.index_cast %scan3A_105 : i32 to index
          %get3A_147 = arith.constant 48 : index
          %get3A_148 = tpu.vector_load %arg8[%get3A_146, %get3A_147] {strides = array<i32>} : memref<128x128xf32, #tpu.memory_space<vmem>>, vector<1x16xf32>,
          %get3A_149 = vector.shape_cast %get3A_148 : vector<1x16xf32> to vector<16xf32>
          %get3A_150 = arith.index_cast %scan3A_105 : i32 to index
          %get3A_151 = arith.constant 48 : index
          %get3A_152 = tpu.vector_load %arg9[%get3A_150, %get3A_151] {strides = array<i32>} : memref<128x128xf32, #tpu.memory_space<vmem>>, vector<1x16xf32>,
          %get3A_153 = vector.shape_cast %get3A_152 : vector<1x16xf32> to vector<16xf32>
          %add3A_154 = arith.addf %get3A_149, %get3A_153 : vector<16xf32>
          %swap3A_155 = arith.index_cast %scan3A_105 : i32 to index
          %swap3A_156 = arith.constant 48 : index
          %swap3A_157 = tpu.vector_load %arg10[%swap3A_155, %swap3A_156] {strides = array<i32>} : memref<128x128xf32, #tpu.memory_space<vmem>>, vector<1x16xf32>,
          %swap3A_158 = vector.shape_cast %swap3A_157 : vector<1x16xf32> to vector<16xf32>
          %swap3A_159 = vector.shape_cast %add3A_154 : vector<16xf32> to vector<1x16xf32>
          tpu.vector_store %arg10[%swap3A_155, %swap3A_156], %swap3A_159 {strides = array<i32>} : memref<128x128xf32, #tpu.memory_space<vmem>>, vector<1x16xf32>,
          %get3A_160 = arith.index_cast %scan3A_105 : i32 to index
          %get3A_161 = arith.constant 64 : index
          %get3A_162 = tpu.vector_load %arg8[%get3A_160, %get3A_161] {strides = array<i32>} : memref<128x128xf32, #tpu.memory_space<vmem>>, vector<1x16xf32>,
          %get3A_163 = vector.shape_cast %get3A_162 : vector<1x16xf32> to vector<16xf32>
          %get3A_164 = arith.index_cast %scan3A_105 : i32 to index
          %get3A_165 = arith.constant 64 : index
          %get3A_166 = tpu.vector_load %arg9[%get3A_164, %get3A_165] {strides = array<i32>} : memref<128x128xf32, #tpu.memory_space<vmem>>, vector<1x16xf32>,
          %get3A_167 = vector.shape_cast %get3A_166 : vector<1x16xf32> to vector<16xf32>
          %add3A_168 = arith.addf %get3A_163, %get3A_167 : vector<16xf32>
          %swap3A_169 = arith.index_cast %scan3A_105 : i32 to index
          %swap3A_170 = arith.constant 64 : index
          %swap3A_171 = tpu.vector_load %arg10[%swap3A_169, %swap3A_170] {strides = array<i32>} : memref<128x128xf32, #tpu.memory_space<vmem>>, vector<1x16xf32>,
          %swap3A_172 = vector.shape_cast %swap3A_171 : vector<1x16xf32> to vector<16xf32>
          %swap3A_173 = vector.shape_cast %add3A_168 : vector<16xf32> to vector<1x16xf32>
          tpu.vector_store %arg10[%swap3A_169, %swap3A_170], %swap3A_173 {strides = array<i32>} : memref<128x128xf32, #tpu.memory_space<vmem>>, vector<1x16xf32>,
          %get3A_174 = arith.index_cast %scan3A_105 : i32 to index
          %get3A_175 = arith.constant 80 : index
          %get3A_176 = tpu.vector_load %arg8[%get3A_174, %get3A_175] {strides = array<i32>} : memref<128x128xf32, #tpu.memory_space<vmem>>, vector<1x16xf32>,
          %get3A_177 = vector.shape_cast %get3A_176 : vector<1x16xf32> to vector<16xf32>
          %get3A_178 = arith.index_cast %scan3A_105 : i32 to index
          %get3A_179 = arith.constant 80 : index
          %get3A_180 = tpu.vector_load %arg9[%get3A_178, %get3A_179] {strides = array<i32>} : memref<128x128xf32, #tpu.memory_space<vmem>>, vector<1x16xf32>,
          %get3A_181 = vector.shape_cast %get3A_180 : vector<1x16xf32> to vector<16xf32>
          %add3A_182 = arith.addf %get3A_177, %get3A_181 : vector<16xf32>
          %swap3A_183 = arith.index_cast %scan3A_105 : i32 to index
          %swap3A_184 = arith.constant 80 : index
          %swap3A_185 = tpu.vector_load %arg10[%swap3A_183, %swap3A_184] {strides = array<i32>} : memref<128x128xf32, #tpu.memory_space<vmem>>, vector<1x16xf32>,
          %swap3A_186 = vector.shape_cast %swap3A_185 : vector<1x16xf32> to vector<16xf32>
          %swap3A_187 = vector.shape_cast %add3A_182 : vector<16xf32> to vector<1x16xf32>
          tpu.vector_store %arg10[%swap3A_183, %swap3A_184], %swap3A_187 {strides = array<i32>} : memref<128x128xf32, #tpu.memory_space<vmem>>, vector<1x16xf32>,
          %get3A_188 = arith.index_cast %scan3A_105 : i32 to index
          %get3A_189 = arith.constant 96 : index
          %get3A_190 = tpu.vector_load %arg8[%get3A_188, %get3A_189] {strides = array<i32>} : memref<128x128xf32, #tpu.memory_space<vmem>>, vector<1x16xf32>,
          %get3A_191 = vector.shape_cast %get3A_190 : vector<1x16xf32> to vector<16xf32>
          %get3A_192 = arith.index_cast %scan3A_105 : i32 to index
          %get3A_193 = arith.constant 96 : index
          %get3A_194 = tpu.vector_load %arg9[%get3A_192, %get3A_193] {strides = array<i32>} : memref<128x128xf32, #tpu.memory_space<vmem>>, vector<1x16xf32>,
          %get3A_195 = vector.shape_cast %get3A_194 : vector<1x16xf32> to vector<16xf32>
          %add3A_196 = arith.addf %get3A_191, %get3A_195 : vector<16xf32>
          %swap3A_197 = arith.index_cast %scan3A_105 : i32 to index
          %swap3A_198 = arith.constant 96 : index
          %swap3A_199 = tpu.vector_load %arg10[%swap3A_197, %swap3A_198] {strides = array<i32>} : memref<128x128xf32, #tpu.memory_space<vmem>>, vector<1x16xf32>,
          %swap3A_200 = vector.shape_cast %swap3A_199 : vector<1x16xf32> to vector<16xf32>
          %swap3A_201 = vector.shape_cast %add3A_196 : vector<16xf32> to vector<1x16xf32>
          tpu.vector_store %arg10[%swap3A_197, %swap3A_198], %swap3A_201 {strides = array<i32>} : memref<128x128xf32, #tpu.memory_space<vmem>>, vector<1x16xf32>,
          %get3A_202 = arith.index_cast %scan3A_105 : i32 to index
          %get3A_203 = arith.constant 112 : index
          %get3A_204 = tpu.vector_load %arg8[%get3A_202, %get3A_203] {strides = array<i32>} : memref<128x128xf32, #tpu.memory_space<vmem>>, vector<1x16xf32>,
          %get3A_205 = vector.shape_cast %get3A_204 : vector<1x16xf32> to vector<16xf32>
          %get3A_206 = arith.index_cast %scan3A_105 : i32 to index
          %get3A_207 = arith.constant 112 : index
          %get3A_208 = tpu.vector_load %arg9[%get3A_206, %get3A_207] {strides = array<i32>} : memref<128x128xf32, #tpu.memory_space<vmem>>, vector<1x16xf32>,
          %get3A_209 = vector.shape_cast %get3A_208 : vector<1x16xf32> to vector<16xf32>
          %add3A_210 = arith.addf %get3A_205, %get3A_209 : vector<16xf32>
          %swap3A_211 = arith.index_cast %scan3A_105 : i32 to index
          %swap3A_212 = arith.constant 112 : index
          %swap3A_213 = tpu.vector_load %arg10[%swap3A_211, %swap3A_212] {strides = array<i32>} : memref<128x128xf32, #tpu.memory_space<vmem>>, vector<1x16xf32>,
          %swap3A_214 = vector.shape_cast %swap3A_213 : vector<1x16xf32> to vector<16xf32>
          %swap3A_215 = vector.shape_cast %add3A_210 : vector<16xf32> to vector<1x16xf32>
          tpu.vector_store %arg10[%swap3A_211, %swap3A_212], %swap3A_215 {strides = array<i32>} : memref<128x128xf32, #tpu.memory_space<vmem>>, vector<1x16xf32>,
        }
        %scan3A_97 = arith.constant 128 : i32
        %dma_start3A = arith.constant 0 : i32
        %dma_start3A_98 = arith.constant 0 : i32
        %dma_start3A_99 = tpu.memref_slice %arg5[%add3A_82, %dma_start3A, %dma_start3A_98] : memref<2500x128x128xf32, #tpu.memory_space<hbm>> -> memref<1x128x128xf32, #tpu.memory_space<hbm>>
        %dma_start3A_100 = tpu.memref_squeeze %dma_start3A_99 : memref<1x128x128xf32, #tpu.memory_space<hbm>> -> memref<128x128xf32, #tpu.memory_space<hbm>>
        %dma_start3A_101 = arith.constant 0 : i32
        %dma_start3A_102 = arith.constant 0 : i32
        %dma_start3A_103 = tpu.memref_slice %arg5[%add3A_82, %dma_start3A_101, %dma_start3A_102] : memref<2500x128x128xf32, #tpu.memory_space<hbm>> -> memref<1x128x128xf32, #tpu.memory_space<hbm>>
        %dma_start3A_104 = tpu.memref_squeeze %dma_start3A_103 : memref<1x128x128xf32, #tpu.memory_space<hbm>> -> memref<128x128xf32, #tpu.memory_space<hbm>>
        tpu.enqueue_dma source(%arg10 : memref<128x128xf32, #tpu.memory_space<vmem>>) target(%dma_start3A_104 : memref<128x128xf32, #tpu.memory_space<hbm>>) target_semaphore(%arg18 : memref<!tpu.dma_semaphore, #tpu.memory_space<semaphore_mem>>)
      } else {
      }
      %mul3A_72 = arith.constant 2 : i32
      %mul3A_73 = arith.muli %mul3A_72, %while3A_48 : i32
      %add3A_74 = arith.constant 1 : i32
      %add3A_75 = arith.addi %mul3A_73, %add3A_74 : i32
      %lt3A_76 = arith.cmpi slt, %add3A_75, %add3A_3 : i32
      %convert_element_type3A_77 = arith.extui %lt3A_76 : i1 to i32
      %cond3A_78 = arith.constant 0 : i32
      %cond3A_79 = arith.cmpi ne, %convert_element_type3A_77, %cond3A_78 : i32
      scf.if %cond3A_79 {
        %mul3A_80 = arith.constant 32 : i32
        %mul3A_81 = arith.muli %add3A_75, %mul3A_80 : i32
        %add3A_82 = arith.addi %add3A, %mul3A_81 : i32
        %dma_wait3A_83 = arith.constant 0 : i32
        %dma_wait3A_84 = arith.constant 0 : i32
        %dma_wait3A_85 = tpu.memref_slice %arg2[%dma_wait3A_83, %dma_wait3A_84] : memref<10000x128xf32, #tpu.memory_space<hbm>> -> memref<10000x128xf32, #tpu.memory_space<hbm>>
        tpu.wait_indirect_dma semaphore(%arg17 : memref<!tpu.dma_semaphore, #tpu.memory_space<semaphore_mem>>) src(%dma_wait3A_85 : memref<10000x128xf32, #tpu.memory_space<hbm>>) dst(%arg13 : memref<128x128xf32, #tpu.memory_space<vmem>>)
        %dma_wait3A_86 = arith.constant 0 : i32
        %dma_wait3A_87 = arith.constant 0 : i32
        %dma_wait3A_88 = tpu.memref_slice %arg2[%dma_wait3A_86, %dma_wait3A_87] : memref<10000x128xf32, #tpu.memory_space<hbm>> -> memref<10000x128xf32, #tpu.memory_space<hbm>>
        tpu.wait_indirect_dma semaphore(%arg17 : memref<!tpu.dma_semaphore, #tpu.memory_space<semaphore_mem>>) src(%dma_wait3A_88 : memref<10000x128xf32, #tpu.memory_space<hbm>>) dst(%arg14 : memref<128x128xf32, #tpu.memory_space<vmem>>)
        %gt3A = arith.constant 0 : i32
        %gt3A_89 = arith.cmpi sgt, %while3A_48, %gt3A : i32
        %convert_element_type3A_90 = arith.extui %gt3A_89 : i1 to i32
        %cond3A_91 = arith.constant 0 : i32
        %cond3A_92 = arith.cmpi ne, %convert_element_type3A_90, %cond3A_91 : i32
        scf.if %cond3A_92 {
          %dma_wait3A_105 = arith.constant 0 : i32
          %dma_wait3A_106 = arith.constant 0 : i32
          %dma_wait3A_107 = arith.constant 0 : i32
          %dma_wait3A_108 = tpu.memref_slice %arg5[%dma_wait3A_105, %dma_wait3A_106, %dma_wait3A_107] : memref<2500x128x128xf32, #tpu.memory_space<hbm>> -> memref<1x128x128xf32, #tpu.memory_space<hbm>>
          %dma_wait3A_109 = tpu.memref_squeeze %dma_wait3A_108 : memref<1x128x128xf32, #tpu.memory_space<hbm>> -> memref<128x128xf32, #tpu.memory_space<hbm>>
          %dma_wait3A_110 = arith.constant 0 : i32
          %dma_wait3A_111 = arith.constant 0 : i32
          %dma_wait3A_112 = tpu.memref_slice %arg5[%dma_wait3A_105, %dma_wait3A_110, %dma_wait3A_111] : memref<2500x128x128xf32, #tpu.memory_space<hbm>> -> memref<1x128x128xf32, #tpu.memory_space<hbm>>
          %dma_wait3A_113 = tpu.memref_squeeze %dma_wait3A_112 : memref<1x128x128xf32, #tpu.memory_space<hbm>> -> memref<128x128xf32, #tpu.memory_space<hbm>>
          tpu.wait_dma2 semaphore(%arg19 : memref<!tpu.dma_semaphore, #tpu.memory_space<semaphore_mem>>) src(%dma_wait3A_113 : memref<128x128xf32, #tpu.memory_space<hbm>>) dst(%arg15 : memref<128x128xf32, #tpu.memory_space<vmem>>)
        } else {
        }
        %scan3A = arith.constant 0 : i32
        %scan3A_93 = arith.constant 0 : i32
        %scan3A_94 = arith.constant 128 : i32
        %scan3A_95 = arith.addi %scan3A_93, %scan3A_94 : i32
        %scan3A_96 = arith.constant 1 : i32
        scf.for %scan3A_105 = %scan3A_93 to %scan3A_95 step %scan3A_96  : i32 {
          %get3A = arith.index_cast %scan3A_105 : i32 to index
          %get3A_106 = arith.constant 0 : index
          %get3A_107 = tpu.vector_load %arg13[%get3A, %get3A_106] {strides = array<i32>} : memref<128x128xf32, #tpu.memory_space<vmem>>, vector<1x16xf32>,
          %get3A_108 = vector.shape_cast %get3A_107 : vector<1x16xf32> to vector<16xf32>
          %get3A_109 = arith.index_cast %scan3A_105 : i32 to index
          %get3A_110 = arith.constant 0 : index
          %get3A_111 = tpu.vector_load %arg14[%get3A_109, %get3A_110] {strides = array<i32>} : memref<128x128xf32, #tpu.memory_space<vmem>>, vector<1x16xf32>,
          %get3A_112 = vector.shape_cast %get3A_111 : vector<1x16xf32> to vector<16xf32>
          %add3A_113 = arith.addf %get3A_108, %get3A_112 : vector<16xf32>
          %swap3A = arith.index_cast %scan3A_105 : i32 to index
          %swap3A_114 = arith.constant 0 : index
          %swap3A_115 = tpu.vector_load %arg15[%swap3A, %swap3A_114] {strides = array<i32>} : memref<128x128xf32, #tpu.memory_space<vmem>>, vector<1x16xf32>,
          %swap3A_116 = vector.shape_cast %swap3A_115 : vector<1x16xf32> to vector<16xf32>
          %swap3A_117 = vector.shape_cast %add3A_113 : vector<16xf32> to vector<1x16xf32>
          tpu.vector_store %arg15[%swap3A, %swap3A_114], %swap3A_117 {strides = array<i32>} : memref<128x128xf32, #tpu.memory_space<vmem>>, vector<1x16xf32>,
          %get3A_118 = arith.index_cast %scan3A_105 : i32 to index
          %get3A_119 = arith.constant 16 : index
          %get3A_120 = tpu.vector_load %arg13[%get3A_118, %get3A_119] {strides = array<i32>} : memref<128x128xf32, #tpu.memory_space<vmem>>, vector<1x16xf32>,
          %get3A_121 = vector.shape_cast %get3A_120 : vector<1x16xf32> to vector<16xf32>
          %get3A_122 = arith.index_cast %scan3A_105 : i32 to index
          %get3A_123 = arith.constant 16 : index
          %get3A_124 = tpu.vector_load %arg14[%get3A_122, %get3A_123] {strides = array<i32>} : memref<128x128xf32, #tpu.memory_space<vmem>>, vector<1x16xf32>,
          %get3A_125 = vector.shape_cast %get3A_124 : vector<1x16xf32> to vector<16xf32>
          %add3A_126 = arith.addf %get3A_121, %get3A_125 : vector<16xf32>
          %swap3A_127 = arith.index_cast %scan3A_105 : i32 to index
          %swap3A_128 = arith.constant 16 : index
          %swap3A_129 = tpu.vector_load %arg15[%swap3A_127, %swap3A_128] {strides = array<i32>} : memref<128x128xf32, #tpu.memory_space<vmem>>, vector<1x16xf32>,
          %swap3A_130 = vector.shape_cast %swap3A_129 : vector<1x16xf32> to vector<16xf32>
          %swap3A_131 = vector.shape_cast %add3A_126 : vector<16xf32> to vector<1x16xf32>
          tpu.vector_store %arg15[%swap3A_127, %swap3A_128], %swap3A_131 {strides = array<i32>} : memref<128x128xf32, #tpu.memory_space<vmem>>, vector<1x16xf32>,
          %get3A_132 = arith.index_cast %scan3A_105 : i32 to index
          %get3A_133 = arith.constant 32 : index
          %get3A_134 = tpu.vector_load %arg13[%get3A_132, %get3A_133] {strides = array<i32>} : memref<128x128xf32, #tpu.memory_space<vmem>>, vector<1x16xf32>,
          %get3A_135 = vector.shape_cast %get3A_134 : vector<1x16xf32> to vector<16xf32>
          %get3A_136 = arith.index_cast %scan3A_105 : i32 to index
          %get3A_137 = arith.constant 32 : index
          %get3A_138 = tpu.vector_load %arg14[%get3A_136, %get3A_137] {strides = array<i32>} : memref<128x128xf32, #tpu.memory_space<vmem>>, vector<1x16xf32>,
          %get3A_139 = vector.shape_cast %get3A_138 : vector<1x16xf32> to vector<16xf32>
          %add3A_140 = arith.addf %get3A_135, %get3A_139 : vector<16xf32>
          %swap3A_141 = arith.index_cast %scan3A_105 : i32 to index
          %swap3A_142 = arith.constant 32 : index
          %swap3A_143 = tpu.vector_load %arg15[%swap3A_141, %swap3A_142] {strides = array<i32>} : memref<128x128xf32, #tpu.memory_space<vmem>>, vector<1x16xf32>,
          %swap3A_144 = vector.shape_cast %swap3A_143 : vector<1x16xf32> to vector<16xf32>
          %swap3A_145 = vector.shape_cast %add3A_140 : vector<16xf32> to vector<1x16xf32>
          tpu.vector_store %arg15[%swap3A_141, %swap3A_142], %swap3A_145 {strides = array<i32>} : memref<128x128xf32, #tpu.memory_space<vmem>>, vector<1x16xf32>,
          %get3A_146 = arith.index_cast %scan3A_105 : i32 to index
          %get3A_147 = arith.constant 48 : index
          %get3A_148 = tpu.vector_load %arg13[%get3A_146, %get3A_147] {strides = array<i32>} : memref<128x128xf32, #tpu.memory_space<vmem>>, vector<1x16xf32>,
          %get3A_149 = vector.shape_cast %get3A_148 : vector<1x16xf32> to vector<16xf32>
          %get3A_150 = arith.index_cast %scan3A_105 : i32 to index
          %get3A_151 = arith.constant 48 : index
          %get3A_152 = tpu.vector_load %arg14[%get3A_150, %get3A_151] {strides = array<i32>} : memref<128x128xf32, #tpu.memory_space<vmem>>, vector<1x16xf32>,
          %get3A_153 = vector.shape_cast %get3A_152 : vector<1x16xf32> to vector<16xf32>
          %add3A_154 = arith.addf %get3A_149, %get3A_153 : vector<16xf32>
          %swap3A_155 = arith.index_cast %scan3A_105 : i32 to index
          %swap3A_156 = arith.constant 48 : index
          %swap3A_157 = tpu.vector_load %arg15[%swap3A_155, %swap3A_156] {strides = array<i32>} : memref<128x128xf32, #tpu.memory_space<vmem>>, vector<1x16xf32>,
          %swap3A_158 = vector.shape_cast %swap3A_157 : vector<1x16xf32> to vector<16xf32>
          %swap3A_159 = vector.shape_cast %add3A_154 : vector<16xf32> to vector<1x16xf32>
          tpu.vector_store %arg15[%swap3A_155, %swap3A_156], %swap3A_159 {strides = array<i32>} : memref<128x128xf32, #tpu.memory_space<vmem>>, vector<1x16xf32>,
          %get3A_160 = arith.index_cast %scan3A_105 : i32 to index
          %get3A_161 = arith.constant 64 : index
          %get3A_162 = tpu.vector_load %arg13[%get3A_160, %get3A_161] {strides = array<i32>} : memref<128x128xf32, #tpu.memory_space<vmem>>, vector<1x16xf32>,
          %get3A_163 = vector.shape_cast %get3A_162 : vector<1x16xf32> to vector<16xf32>
          %get3A_164 = arith.index_cast %scan3A_105 : i32 to index
          %get3A_165 = arith.constant 64 : index
          %get3A_166 = tpu.vector_load %arg14[%get3A_164, %get3A_165] {strides = array<i32>} : memref<128x128xf32, #tpu.memory_space<vmem>>, vector<1x16xf32>,
          %get3A_167 = vector.shape_cast %get3A_166 : vector<1x16xf32> to vector<16xf32>
          %add3A_168 = arith.addf %get3A_163, %get3A_167 : vector<16xf32>
          %swap3A_169 = arith.index_cast %scan3A_105 : i32 to index
          %swap3A_170 = arith.constant 64 : index
          %swap3A_171 = tpu.vector_load %arg15[%swap3A_169, %swap3A_170] {strides = array<i32>} : memref<128x128xf32, #tpu.memory_space<vmem>>, vector<1x16xf32>,
          %swap3A_172 = vector.shape_cast %swap3A_171 : vector<1x16xf32> to vector<16xf32>
          %swap3A_173 = vector.shape_cast %add3A_168 : vector<16xf32> to vector<1x16xf32>
          tpu.vector_store %arg15[%swap3A_169, %swap3A_170], %swap3A_173 {strides = array<i32>} : memref<128x128xf32, #tpu.memory_space<vmem>>, vector<1x16xf32>,
          %get3A_174 = arith.index_cast %scan3A_105 : i32 to index
          %get3A_175 = arith.constant 80 : index
          %get3A_176 = tpu.vector_load %arg13[%get3A_174, %get3A_175] {strides = array<i32>} : memref<128x128xf32, #tpu.memory_space<vmem>>, vector<1x16xf32>,
          %get3A_177 = vector.shape_cast %get3A_176 : vector<1x16xf32> to vector<16xf32>
          %get3A_178 = arith.index_cast %scan3A_105 : i32 to index
          %get3A_179 = arith.constant 80 : index
          %get3A_180 = tpu.vector_load %arg14[%get3A_178, %get3A_179] {strides = array<i32>} : memref<128x128xf32, #tpu.memory_space<vmem>>, vector<1x16xf32>,
          %get3A_181 = vector.shape_cast %get3A_180 : vector<1x16xf32> to vector<16xf32>
          %add3A_182 = arith.addf %get3A_177, %get3A_181 : vector<16xf32>
          %swap3A_183 = arith.index_cast %scan3A_105 : i32 to index
          %swap3A_184 = arith.constant 80 : index
          %swap3A_185 = tpu.vector_load %arg15[%swap3A_183, %swap3A_184] {strides = array<i32>} : memref<128x128xf32, #tpu.memory_space<vmem>>, vector<1x16xf32>,
          %swap3A_186 = vector.shape_cast %swap3A_185 : vector<1x16xf32> to vector<16xf32>
          %swap3A_187 = vector.shape_cast %add3A_182 : vector<16xf32> to vector<1x16xf32>
          tpu.vector_store %arg15[%swap3A_183, %swap3A_184], %swap3A_187 {strides = array<i32>} : memref<128x128xf32, #tpu.memory_space<vmem>>, vector<1x16xf32>,
          %get3A_188 = arith.index_cast %scan3A_105 : i32 to index
          %get3A_189 = arith.constant 96 : index
          %get3A_190 = tpu.vector_load %arg13[%get3A_188, %get3A_189] {strides = array<i32>} : memref<128x128xf32, #tpu.memory_space<vmem>>, vector<1x16xf32>,
          %get3A_191 = vector.shape_cast %get3A_190 : vector<1x16xf32> to vector<16xf32>
          %get3A_192 = arith.index_cast %scan3A_105 : i32 to index
          %get3A_193 = arith.constant 96 : index
          %get3A_194 = tpu.vector_load %arg14[%get3A_192, %get3A_193] {strides = array<i32>} : memref<128x128xf32, #tpu.memory_space<vmem>>, vector<1x16xf32>,
          %get3A_195 = vector.shape_cast %get3A_194 : vector<1x16xf32> to vector<16xf32>
          %add3A_196 = arith.addf %get3A_191, %get3A_195 : vector<16xf32>
          %swap3A_197 = arith.index_cast %scan3A_105 : i32 to index
          %swap3A_198 = arith.constant 96 : index
          %swap3A_199 = tpu.vector_load %arg15[%swap3A_197, %swap3A_198] {strides = array<i32>} : memref<128x128xf32, #tpu.memory_space<vmem>>, vector<1x16xf32>,
          %swap3A_200 = vector.shape_cast %swap3A_199 : vector<1x16xf32> to vector<16xf32>
          %swap3A_201 = vector.shape_cast %add3A_196 : vector<16xf32> to vector<1x16xf32>
          tpu.vector_store %arg15[%swap3A_197, %swap3A_198], %swap3A_201 {strides = array<i32>} : memref<128x128xf32, #tpu.memory_space<vmem>>, vector<1x16xf32>,
          %get3A_202 = arith.index_cast %scan3A_105 : i32 to index
          %get3A_203 = arith.constant 112 : index
          %get3A_204 = tpu.vector_load %arg13[%get3A_202, %get3A_203] {strides = array<i32>} : memref<128x128xf32, #tpu.memory_space<vmem>>, vector<1x16xf32>,
          %get3A_205 = vector.shape_cast %get3A_204 : vector<1x16xf32> to vector<16xf32>
          %get3A_206 = arith.index_cast %scan3A_105 : i32 to index
          %get3A_207 = arith.constant 112 : index
          %get3A_208 = tpu.vector_load %arg14[%get3A_206, %get3A_207] {strides = array<i32>} : memref<128x128xf32, #tpu.memory_space<vmem>>, vector<1x16xf32>,
          %get3A_209 = vector.shape_cast %get3A_208 : vector<1x16xf32> to vector<16xf32>
          %add3A_210 = arith.addf %get3A_205, %get3A_209 : vector<16xf32>
          %swap3A_211 = arith.index_cast %scan3A_105 : i32 to index
          %swap3A_212 = arith.constant 112 : index
          %swap3A_213 = tpu.vector_load %arg15[%swap3A_211, %swap3A_212] {strides = array<i32>} : memref<128x128xf32, #tpu.memory_space<vmem>>, vector<1x16xf32>,
          %swap3A_214 = vector.shape_cast %swap3A_213 : vector<1x16xf32> to vector<16xf32>
          %swap3A_215 = vector.shape_cast %add3A_210 : vector<16xf32> to vector<1x16xf32>
          tpu.vector_store %arg15[%swap3A_211, %swap3A_212], %swap3A_215 {strides = array<i32>} : memref<128x128xf32, #tpu.memory_space<vmem>>, vector<1x16xf32>,
        }
        %scan3A_97 = arith.constant 128 : i32
        %dma_start3A = arith.constant 0 : i32
        %dma_start3A_98 = arith.constant 0 : i32
        %dma_start3A_99 = tpu.memref_slice %arg5[%add3A_82, %dma_start3A, %dma_start3A_98] : memref<2500x128x128xf32, #tpu.memory_space<hbm>> -> memref<1x128x128xf32, #tpu.memory_space<hbm>>
        %dma_start3A_100 = tpu.memref_squeeze %dma_start3A_99 : memref<1x128x128xf32, #tpu.memory_space<hbm>> -> memref<128x128xf32, #tpu.memory_space<hbm>>
        %dma_start3A_101 = arith.constant 0 : i32
        %dma_start3A_102 = arith.constant 0 : i32
        %dma_start3A_103 = tpu.memref_slice %arg5[%add3A_82, %dma_start3A_101, %dma_start3A_102] : memref<2500x128x128xf32, #tpu.memory_space<hbm>> -> memref<1x128x128xf32, #tpu.memory_space<hbm>>
        %dma_start3A_104 = tpu.memref_squeeze %dma_start3A_103 : memref<1x128x128xf32, #tpu.memory_space<hbm>> -> memref<128x128xf32, #tpu.memory_space<hbm>>
        tpu.enqueue_dma source(%arg15 : memref<128x128xf32, #tpu.memory_space<vmem>>) target(%dma_start3A_104 : memref<128x128xf32, #tpu.memory_space<hbm>>) target_semaphore(%arg19 : memref<!tpu.dma_semaphore, #tpu.memory_space<semaphore_mem>>)
      } else {
      }
    }
    %while3A_30 = arith.constant 1 : i32
    scf.for %while3A_48 = %while3A_28 to %while3A_24 step %while3A_30  : i32 {
      %mul3A_49 = arith.constant 2 : i32
      %mul3A_50 = arith.muli %mul3A_49, %while3A_48 : i32
      %add3A_51 = arith.constant 0 : i32
      %add3A_52 = arith.addi %mul3A_50, %add3A_51 : i32
      %lt3A_53 = arith.cmpi slt, %add3A_52, %add3A_3 : i32
      %convert_element_type3A_54 = arith.extui %lt3A_53 : i1 to i32
      %cond3A = arith.constant 0 : i32
      %cond3A_55 = arith.cmpi ne, %convert_element_type3A_54, %cond3A : i32
      scf.if %cond3A_55 {
        %mul3A_80 = arith.constant 32 : i32
        %mul3A_81 = arith.muli %add3A_52, %mul3A_80 : i32
        %add3A_82 = arith.addi %add3A, %mul3A_81 : i32
        "tpu.region"() ({
          %run_scoped3A = tpu.sem_alloc : memref<!tpu.dma_semaphore, #tpu.memory_space<semaphore_mem>>
          %dma_start3A_88 = arith.constant 0 : i32
          %dma_start3A_89 = tpu.memref_slice %arg3[%add3A_82, %dma_start3A_88] : memref<2500x128xi32, #tpu.memory_space<hbm>> -> memref<1x128xi32, #tpu.memory_space<hbm>>
          %dma_start3A_90 = tpu.memref_squeeze %dma_start3A_89 : memref<1x128xi32, #tpu.memory_space<hbm>> -> memref<128xi32, #tpu.memory_space<hbm>>
          %dma_start3A_91 = arith.constant 0 : i32
          %dma_start3A_92 = tpu.memref_slice %arg3[%add3A_82, %dma_start3A_91] : memref<2500x128xi32, #tpu.memory_space<hbm>> -> memref<1x128xi32, #tpu.memory_space<hbm>>
          %dma_start3A_93 = tpu.memref_squeeze %dma_start3A_92 : memref<1x128xi32, #tpu.memory_space<hbm>> -> memref<128xi32, #tpu.memory_space<hbm>>
          tpu.enqueue_dma source(%dma_start3A_93 : memref<128xi32, #tpu.memory_space<hbm>>) target(%arg6 : memref<128xi32, #tpu.memory_space<vmem>>) target_semaphore(%run_scoped3A : memref<!tpu.dma_semaphore, #tpu.memory_space<semaphore_mem>>)
          %dma_wait3A_94 = arith.constant 0 : i32
          %dma_wait3A_95 = tpu.memref_slice %arg3[%add3A_82, %dma_wait3A_94] : memref<2500x128xi32, #tpu.memory_space<hbm>> -> memref<1x128xi32, #tpu.memory_space<hbm>>
          %dma_wait3A_96 = tpu.memref_squeeze %dma_wait3A_95 : memref<1x128xi32, #tpu.memory_space<hbm>> -> memref<128xi32, #tpu.memory_space<hbm>>
          %dma_wait3A_97 = arith.constant 0 : i32
          %dma_wait3A_98 = tpu.memref_slice %arg3[%add3A_82, %dma_wait3A_97] : memref<2500x128xi32, #tpu.memory_space<hbm>> -> memref<1x128xi32, #tpu.memory_space<hbm>>
          %dma_wait3A_99 = tpu.memref_squeeze %dma_wait3A_98 : memref<1x128xi32, #tpu.memory_space<hbm>> -> memref<128xi32, #tpu.memory_space<hbm>>
          tpu.wait_dma2 semaphore(%run_scoped3A : memref<!tpu.dma_semaphore, #tpu.memory_space<semaphore_mem>>) src(%dma_wait3A_99 : memref<128xi32, #tpu.memory_space<hbm>>) dst(%arg6 : memref<128xi32, #tpu.memory_space<vmem>>)
          tpu.yield
        }) : () -> ()
        "tpu.region"() ({
          %run_scoped3A = tpu.sem_alloc : memref<!tpu.dma_semaphore, #tpu.memory_space<semaphore_mem>>
          %dma_start3A_88 = arith.constant 0 : i32
          %dma_start3A_89 = tpu.memref_slice %arg4[%add3A_82, %dma_start3A_88] : memref<2500x128xi32, #tpu.memory_space<hbm>> -> memref<1x128xi32, #tpu.memory_space<hbm>>
          %dma_start3A_90 = tpu.memref_squeeze %dma_start3A_89 : memref<1x128xi32, #tpu.memory_space<hbm>> -> memref<128xi32, #tpu.memory_space<hbm>>
          %dma_start3A_91 = arith.constant 0 : i32
          %dma_start3A_92 = tpu.memref_slice %arg4[%add3A_82, %dma_start3A_91] : memref<2500x128xi32, #tpu.memory_space<hbm>> -> memref<1x128xi32, #tpu.memory_space<hbm>>
          %dma_start3A_93 = tpu.memref_squeeze %dma_start3A_92 : memref<1x128xi32, #tpu.memory_space<hbm>> -> memref<128xi32, #tpu.memory_space<hbm>>
          tpu.enqueue_dma source(%dma_start3A_93 : memref<128xi32, #tpu.memory_space<hbm>>) target(%arg7 : memref<128xi32, #tpu.memory_space<vmem>>) target_semaphore(%run_scoped3A : memref<!tpu.dma_semaphore, #tpu.memory_space<semaphore_mem>>)
          %dma_wait3A_94 = arith.constant 0 : i32
          %dma_wait3A_95 = tpu.memref_slice %arg4[%add3A_82, %dma_wait3A_94] : memref<2500x128xi32, #tpu.memory_space<hbm>> -> memref<1x128xi32, #tpu.memory_space<hbm>>
          %dma_wait3A_96 = tpu.memref_squeeze %dma_wait3A_95 : memref<1x128xi32, #tpu.memory_space<hbm>> -> memref<128xi32, #tpu.memory_space<hbm>>
          %dma_wait3A_97 = arith.constant 0 : i32
          %dma_wait3A_98 = tpu.memref_slice %arg4[%add3A_82, %dma_wait3A_97] : memref<2500x128xi32, #tpu.memory_space<hbm>> -> memref<1x128xi32, #tpu.memory_space<hbm>>
          %dma_wait3A_99 = tpu.memref_squeeze %dma_wait3A_98 : memref<1x128xi32, #tpu.memory_space<hbm>> -> memref<128xi32, #tpu.memory_space<hbm>>
          tpu.wait_dma2 semaphore(%run_scoped3A : memref<!tpu.dma_semaphore, #tpu.memory_space<semaphore_mem>>) src(%dma_wait3A_99 : memref<128xi32, #tpu.memory_space<hbm>>) dst(%arg7 : memref<128xi32, #tpu.memory_space<vmem>>)
          tpu.yield
        }) : () -> ()
        %dma_start3A = arith.constant 0 : i32
        %dma_start3A_83 = arith.constant 0 : i32
        %dma_start3A_84 = tpu.memref_slice %arg2[%dma_start3A, %dma_start3A_83] : memref<10000x128xf32, #tpu.memory_space<hbm>> -> memref<10000x128xf32, #tpu.memory_space<hbm>>
        tpu.enqueue_indirect_dma source(%dma_start3A_84 : memref<10000x128xf32, #tpu.memory_space<hbm>>) target(%arg8 : memref<128x128xf32, #tpu.memory_space<vmem>>) offsets(%arg6 : memref<128xi32, #tpu.memory_space<vmem>>) semaphore(%arg16 : memref<!tpu.dma_semaphore, #tpu.memory_space<semaphore_mem>>)
        %dma_start3A_85 = arith.constant 0 : i32
        %dma_start3A_86 = arith.constant 0 : i32
        %dma_start3A_87 = tpu.memref_slice %arg2[%dma_start3A_85, %dma_start3A_86] : memref<10000x128xf32, #tpu.memory_space<hbm>> -> memref<10000x128xf32, #tpu.memory_space<hbm>>
        tpu.enqueue_indirect_dma source(%dma_start3A_87 : memref<10000x128xf32, #tpu.memory_space<hbm>>) target(%arg9 : memref<128x128xf32, #tpu.memory_space<vmem>>) offsets(%arg7 : memref<128xi32, #tpu.memory_space<vmem>>) semaphore(%arg16 : memref<!tpu.dma_semaphore, #tpu.memory_space<semaphore_mem>>)
      } else {
      }
      %mul3A_56 = arith.constant 2 : i32
      %mul3A_57 = arith.muli %mul3A_56, %while3A_48 : i32
      %add3A_58 = arith.constant 1 : i32
      %add3A_59 = arith.addi %mul3A_57, %add3A_58 : i32
      %lt3A_60 = arith.cmpi slt, %add3A_59, %add3A_3 : i32
      %convert_element_type3A_61 = arith.extui %lt3A_60 : i1 to i32
      %cond3A_62 = arith.constant 0 : i32
      %cond3A_63 = arith.cmpi ne, %convert_element_type3A_61, %cond3A_62 : i32
      scf.if %cond3A_63 {
        %mul3A_80 = arith.constant 32 : i32
        %mul3A_81 = arith.muli %add3A_59, %mul3A_80 : i32
        %add3A_82 = arith.addi %add3A, %mul3A_81 : i32
        "tpu.region"() ({
          %run_scoped3A = tpu.sem_alloc : memref<!tpu.dma_semaphore, #tpu.memory_space<semaphore_mem>>
          %dma_start3A_88 = arith.constant 0 : i32
          %dma_start3A_89 = tpu.memref_slice %arg3[%add3A_82, %dma_start3A_88] : memref<2500x128xi32, #tpu.memory_space<hbm>> -> memref<1x128xi32, #tpu.memory_space<hbm>>
          %dma_start3A_90 = tpu.memref_squeeze %dma_start3A_89 : memref<1x128xi32, #tpu.memory_space<hbm>> -> memref<128xi32, #tpu.memory_space<hbm>>
          %dma_start3A_91 = arith.constant 0 : i32
          %dma_start3A_92 = tpu.memref_slice %arg3[%add3A_82, %dma_start3A_91] : memref<2500x128xi32, #tpu.memory_space<hbm>> -> memref<1x128xi32, #tpu.memory_space<hbm>>
          %dma_start3A_93 = tpu.memref_squeeze %dma_start3A_92 : memref<1x128xi32, #tpu.memory_space<hbm>> -> memref<128xi32, #tpu.memory_space<hbm>>
          tpu.enqueue_dma source(%dma_start3A_93 : memref<128xi32, #tpu.memory_space<hbm>>) target(%arg11 : memref<128xi32, #tpu.memory_space<vmem>>) target_semaphore(%run_scoped3A : memref<!tpu.dma_semaphore, #tpu.memory_space<semaphore_mem>>)
          %dma_wait3A_94 = arith.constant 0 : i32
          %dma_wait3A_95 = tpu.memref_slice %arg3[%add3A_82, %dma_wait3A_94] : memref<2500x128xi32, #tpu.memory_space<hbm>> -> memref<1x128xi32, #tpu.memory_space<hbm>>
          %dma_wait3A_96 = tpu.memref_squeeze %dma_wait3A_95 : memref<1x128xi32, #tpu.memory_space<hbm>> -> memref<128xi32, #tpu.memory_space<hbm>>
          %dma_wait3A_97 = arith.constant 0 : i32
          %dma_wait3A_98 = tpu.memref_slice %arg3[%add3A_82, %dma_wait3A_97] : memref<2500x128xi32, #tpu.memory_space<hbm>> -> memref<1x128xi32, #tpu.memory_space<hbm>>
          %dma_wait3A_99 = tpu.memref_squeeze %dma_wait3A_98 : memref<1x128xi32, #tpu.memory_space<hbm>> -> memref<128xi32, #tpu.memory_space<hbm>>
          tpu.wait_dma2 semaphore(%run_scoped3A : memref<!tpu.dma_semaphore, #tpu.memory_space<semaphore_mem>>) src(%dma_wait3A_99 : memref<128xi32, #tpu.memory_space<hbm>>) dst(%arg11 : memref<128xi32, #tpu.memory_space<vmem>>)
          tpu.yield
        }) : () -> ()
        "tpu.region"() ({
          %run_scoped3A = tpu.sem_alloc : memref<!tpu.dma_semaphore, #tpu.memory_space<semaphore_mem>>
          %dma_start3A_88 = arith.constant 0 : i32
          %dma_start3A_89 = tpu.memref_slice %arg4[%add3A_82, %dma_start3A_88] : memref<2500x128xi32, #tpu.memory_space<hbm>> -> memref<1x128xi32, #tpu.memory_space<hbm>>
          %dma_start3A_90 = tpu.memref_squeeze %dma_start3A_89 : memref<1x128xi32, #tpu.memory_space<hbm>> -> memref<128xi32, #tpu.memory_space<hbm>>
          %dma_start3A_91 = arith.constant 0 : i32
          %dma_start3A_92 = tpu.memref_slice %arg4[%add3A_82, %dma_start3A_91] : memref<2500x128xi32, #tpu.memory_space<hbm>> -> memref<1x128xi32, #tpu.memory_space<hbm>>
          %dma_start3A_93 = tpu.memref_squeeze %dma_start3A_92 : memref<1x128xi32, #tpu.memory_space<hbm>> -> memref<128xi32, #tpu.memory_space<hbm>>
          tpu.enqueue_dma source(%dma_start3A_93 : memref<128xi32, #tpu.memory_space<hbm>>) target(%arg12 : memref<128xi32, #tpu.memory_space<vmem>>) target_semaphore(%run_scoped3A : memref<!tpu.dma_semaphore, #tpu.memory_space<semaphore_mem>>)
          %dma_wait3A_94 = arith.constant 0 : i32
          %dma_wait3A_95 = tpu.memref_slice %arg4[%add3A_82, %dma_wait3A_94] : memref<2500x128xi32, #tpu.memory_space<hbm>> -> memref<1x128xi32, #tpu.memory_space<hbm>>
          %dma_wait3A_96 = tpu.memref_squeeze %dma_wait3A_95 : memref<1x128xi32, #tpu.memory_space<hbm>> -> memref<128xi32, #tpu.memory_space<hbm>>
          %dma_wait3A_97 = arith.constant 0 : i32
          %dma_wait3A_98 = tpu.memref_slice %arg4[%add3A_82, %dma_wait3A_97] : memref<2500x128xi32, #tpu.memory_space<hbm>> -> memref<1x128xi32, #tpu.memory_space<hbm>>
          %dma_wait3A_99 = tpu.memref_squeeze %dma_wait3A_98 : memref<1x128xi32, #tpu.memory_space<hbm>> -> memref<128xi32, #tpu.memory_space<hbm>>
          tpu.wait_dma2 semaphore(%run_scoped3A : memref<!tpu.dma_semaphore, #tpu.memory_space<semaphore_mem>>) src(%dma_wait3A_99 : memref<128xi32, #tpu.memory_space<hbm>>) dst(%arg12 : memref<128xi32, #tpu.memory_space<vmem>>)
          tpu.yield
        }) : () -> ()
        %dma_start3A = arith.constant 0 : i32
        %dma_start3A_83 = arith.constant 0 : i32
        %dma_start3A_84 = tpu.memref_slice %arg2[%dma_start3A, %dma_start3A_83] : memref<10000x128xf32, #tpu.memory_space<hbm>> -> memref<10000x128xf32, #tpu.memory_space<hbm>>
        tpu.enqueue_indirect_dma source(%dma_start3A_84 : memref<10000x128xf32, #tpu.memory_space<hbm>>) target(%arg13 : memref<128x128xf32, #tpu.memory_space<vmem>>) offsets(%arg11 : memref<128xi32, #tpu.memory_space<vmem>>) semaphore(%arg17 : memref<!tpu.dma_semaphore, #tpu.memory_space<semaphore_mem>>)
        %dma_start3A_85 = arith.constant 0 : i32
        %dma_start3A_86 = arith.constant 0 : i32
        %dma_start3A_87 = tpu.memref_slice %arg2[%dma_start3A_85, %dma_start3A_86] : memref<10000x128xf32, #tpu.memory_space<hbm>> -> memref<10000x128xf32, #tpu.memory_space<hbm>>
        tpu.enqueue_indirect_dma source(%dma_start3A_87 : memref<10000x128xf32, #tpu.memory_space<hbm>>) target(%arg14 : memref<128x128xf32, #tpu.memory_space<vmem>>) offsets(%arg12 : memref<128xi32, #tpu.memory_space<vmem>>) semaphore(%arg17 : memref<!tpu.dma_semaphore, #tpu.memory_space<semaphore_mem>>)
      } else {
      }
      %mul3A_64 = arith.constant 2 : i32
      %mul3A_65 = arith.muli %mul3A_64, %while3A_48 : i32
      %add3A_66 = arith.constant 0 : i32
      %add3A_67 = arith.addi %mul3A_65, %add3A_66 : i32
      %lt3A_68 = arith.cmpi slt, %add3A_67, %add3A_3 : i32
      %convert_element_type3A_69 = arith.extui %lt3A_68 : i1 to i32
      %cond3A_70 = arith.constant 0 : i32
      %cond3A_71 = arith.cmpi ne, %convert_element_type3A_69, %cond3A_70 : i32
      scf.if %cond3A_71 {
        %mul3A_80 = arith.constant 32 : i32
        %mul3A_81 = arith.muli %add3A_67, %mul3A_80 : i32
        %add3A_82 = arith.addi %add3A, %mul3A_81 : i32
        %dma_wait3A_83 = arith.constant 0 : i32
        %dma_wait3A_84 = arith.constant 0 : i32
        %dma_wait3A_85 = tpu.memref_slice %arg2[%dma_wait3A_83, %dma_wait3A_84] : memref<10000x128xf32, #tpu.memory_space<hbm>> -> memref<10000x128xf32, #tpu.memory_space<hbm>>
        tpu.wait_indirect_dma semaphore(%arg16 : memref<!tpu.dma_semaphore, #tpu.memory_space<semaphore_mem>>) src(%dma_wait3A_85 : memref<10000x128xf32, #tpu.memory_space<hbm>>) dst(%arg8 : memref<128x128xf32, #tpu.memory_space<vmem>>)
        %dma_wait3A_86 = arith.constant 0 : i32
        %dma_wait3A_87 = arith.constant 0 : i32
        %dma_wait3A_88 = tpu.memref_slice %arg2[%dma_wait3A_86, %dma_wait3A_87] : memref<10000x128xf32, #tpu.memory_space<hbm>> -> memref<10000x128xf32, #tpu.memory_space<hbm>>
        tpu.wait_indirect_dma semaphore(%arg16 : memref<!tpu.dma_semaphore, #tpu.memory_space<semaphore_mem>>) src(%dma_wait3A_88 : memref<10000x128xf32, #tpu.memory_space<hbm>>) dst(%arg9 : memref<128x128xf32, #tpu.memory_space<vmem>>)
        %gt3A = arith.constant 0 : i32
        %gt3A_89 = arith.cmpi sgt, %while3A_48, %gt3A : i32
        %convert_element_type3A_90 = arith.extui %gt3A_89 : i1 to i32
        %cond3A_91 = arith.constant 0 : i32
        %cond3A_92 = arith.cmpi ne, %convert_element_type3A_90, %cond3A_91 : i32
        scf.if %cond3A_92 {
          %dma_wait3A_105 = arith.constant 0 : i32
          %dma_wait3A_106 = arith.constant 0 : i32
          %dma_wait3A_107 = arith.constant 0 : i32
          %dma_wait3A_108 = tpu.memref_slice %arg5[%dma_wait3A_105, %dma_wait3A_106, %dma_wait3A_107] : memref<2500x128x128xf32, #tpu.memory_space<hbm>> -> memref<1x128x128xf32, #tpu.memory_space<hbm>>
          %dma_wait3A_109 = tpu.memref_squeeze %dma_wait3A_108 : memref<1x128x128xf32, #tpu.memory_space<hbm>> -> memref<128x128xf32, #tpu.memory_space<hbm>>
          %dma_wait3A_110 = arith.constant 0 : i32
          %dma_wait3A_111 = arith.constant 0 : i32
          %dma_wait3A_112 = tpu.memref_slice %arg5[%dma_wait3A_105, %dma_wait3A_110, %dma_wait3A_111] : memref<2500x128x128xf32, #tpu.memory_space<hbm>> -> memref<1x128x128xf32, #tpu.memory_space<hbm>>
          %dma_wait3A_113 = tpu.memref_squeeze %dma_wait3A_112 : memref<1x128x128xf32, #tpu.memory_space<hbm>> -> memref<128x128xf32, #tpu.memory_space<hbm>>
          tpu.wait_dma2 semaphore(%arg18 : memref<!tpu.dma_semaphore, #tpu.memory_space<semaphore_mem>>) src(%dma_wait3A_113 : memref<128x128xf32, #tpu.memory_space<hbm>>) dst(%arg10 : memref<128x128xf32, #tpu.memory_space<vmem>>)
        } else {
        }
        %scan3A = arith.constant 0 : i32
        %scan3A_93 = arith.constant 0 : i32
        %scan3A_94 = arith.constant 128 : i32
        %scan3A_95 = arith.addi %scan3A_93, %scan3A_94 : i32
        %scan3A_96 = arith.constant 1 : i32
        scf.for %scan3A_105 = %scan3A_93 to %scan3A_95 step %scan3A_96  : i32 {
          %get3A = arith.index_cast %scan3A_105 : i32 to index
          %get3A_106 = arith.constant 0 : index
          %get3A_107 = tpu.vector_load %arg8[%get3A, %get3A_106] {strides = array<i32>} : memref<128x128xf32, #tpu.memory_space<vmem>>, vector<1x16xf32>,
          %get3A_108 = vector.shape_cast %get3A_107 : vector<1x16xf32> to vector<16xf32>
          %get3A_109 = arith.index_cast %scan3A_105 : i32 to index
          %get3A_110 = arith.constant 0 : index
          %get3A_111 = tpu.vector_load %arg9[%get3A_109, %get3A_110] {strides = array<i32>} : memref<128x128xf32, #tpu.memory_space<vmem>>, vector<1x16xf32>,
          %get3A_112 = vector.shape_cast %get3A_111 : vector<1x16xf32> to vector<16xf32>
          %add3A_113 = arith.addf %get3A_108, %get3A_112 : vector<16xf32>
          %swap3A = arith.index_cast %scan3A_105 : i32 to index
          %swap3A_114 = arith.constant 0 : index
          %swap3A_115 = tpu.vector_load %arg10[%swap3A, %swap3A_114] {strides = array<i32>} : memref<128x128xf32, #tpu.memory_space<vmem>>, vector<1x16xf32>,
          %swap3A_116 = vector.shape_cast %swap3A_115 : vector<1x16xf32> to vector<16xf32>
          %swap3A_117 = vector.shape_cast %add3A_113 : vector<16xf32> to vector<1x16xf32>
          tpu.vector_store %arg10[%swap3A, %swap3A_114], %swap3A_117 {strides = array<i32>} : memref<128x128xf32, #tpu.memory_space<vmem>>, vector<1x16xf32>,
          %get3A_118 = arith.index_cast %scan3A_105 : i32 to index
          %get3A_119 = arith.constant 16 : index
          %get3A_120 = tpu.vector_load %arg8[%get3A_118, %get3A_119] {strides = array<i32>} : memref<128x128xf32, #tpu.memory_space<vmem>>, vector<1x16xf32>,
          %get3A_121 = vector.shape_cast %get3A_120 : vector<1x16xf32> to vector<16xf32>
          %get3A_122 = arith.index_cast %scan3A_105 : i32 to index
          %get3A_123 = arith.constant 16 : index
          %get3A_124 = tpu.vector_load %arg9[%get3A_122, %get3A_123] {strides = array<i32>} : memref<128x128xf32, #tpu.memory_space<vmem>>, vector<1x16xf32>,
          %get3A_125 = vector.shape_cast %get3A_124 : vector<1x16xf32> to vector<16xf32>
          %add3A_126 = arith.addf %get3A_121, %get3A_125 : vector<16xf32>
          %swap3A_127 = arith.index_cast %scan3A_105 : i32 to index
          %swap3A_128 = arith.constant 16 : index
          %swap3A_129 = tpu.vector_load %arg10[%swap3A_127, %swap3A_128] {strides = array<i32>} : memref<128x128xf32, #tpu.memory_space<vmem>>, vector<1x16xf32>,
          %swap3A_130 = vector.shape_cast %swap3A_129 : vector<1x16xf32> to vector<16xf32>
          %swap3A_131 = vector.shape_cast %add3A_126 : vector<16xf32> to vector<1x16xf32>
          tpu.vector_store %arg10[%swap3A_127, %swap3A_128], %swap3A_131 {strides = array<i32>} : memref<128x128xf32, #tpu.memory_space<vmem>>, vector<1x16xf32>,
          %get3A_132 = arith.index_cast %scan3A_105 : i32 to index
          %get3A_133 = arith.constant 32 : index
          %get3A_134 = tpu.vector_load %arg8[%get3A_132, %get3A_133] {strides = array<i32>} : memref<128x128xf32, #tpu.memory_space<vmem>>, vector<1x16xf32>,
          %get3A_135 = vector.shape_cast %get3A_134 : vector<1x16xf32> to vector<16xf32>
          %get3A_136 = arith.index_cast %scan3A_105 : i32 to index
          %get3A_137 = arith.constant 32 : index
          %get3A_138 = tpu.vector_load %arg9[%get3A_136, %get3A_137] {strides = array<i32>} : memref<128x128xf32, #tpu.memory_space<vmem>>, vector<1x16xf32>,
          %get3A_139 = vector.shape_cast %get3A_138 : vector<1x16xf32> to vector<16xf32>
          %add3A_140 = arith.addf %get3A_135, %get3A_139 : vector<16xf32>
          %swap3A_141 = arith.index_cast %scan3A_105 : i32 to index
          %swap3A_142 = arith.constant 32 : index
          %swap3A_143 = tpu.vector_load %arg10[%swap3A_141, %swap3A_142] {strides = array<i32>} : memref<128x128xf32, #tpu.memory_space<vmem>>, vector<1x16xf32>,
          %swap3A_144 = vector.shape_cast %swap3A_143 : vector<1x16xf32> to vector<16xf32>
          %swap3A_145 = vector.shape_cast %add3A_140 : vector<16xf32> to vector<1x16xf32>
          tpu.vector_store %arg10[%swap3A_141, %swap3A_142], %swap3A_145 {strides = array<i32>} : memref<128x128xf32, #tpu.memory_space<vmem>>, vector<1x16xf32>,
          %get3A_146 = arith.index_cast %scan3A_105 : i32 to index
          %get3A_147 = arith.constant 48 : index
          %get3A_148 = tpu.vector_load %arg8[%get3A_146, %get3A_147] {strides = array<i32>} : memref<128x128xf32, #tpu.memory_space<vmem>>, vector<1x16xf32>,
          %get3A_149 = vector.shape_cast %get3A_148 : vector<1x16xf32> to vector<16xf32>
          %get3A_150 = arith.index_cast %scan3A_105 : i32 to index
          %get3A_151 = arith.constant 48 : index
          %get3A_152 = tpu.vector_load %arg9[%get3A_150, %get3A_151] {strides = array<i32>} : memref<128x128xf32, #tpu.memory_space<vmem>>, vector<1x16xf32>,
          %get3A_153 = vector.shape_cast %get3A_152 : vector<1x16xf32> to vector<16xf32>
          %add3A_154 = arith.addf %get3A_149, %get3A_153 : vector<16xf32>
          %swap3A_155 = arith.index_cast %scan3A_105 : i32 to index
          %swap3A_156 = arith.constant 48 : index
          %swap3A_157 = tpu.vector_load %arg10[%swap3A_155, %swap3A_156] {strides = array<i32>} : memref<128x128xf32, #tpu.memory_space<vmem>>, vector<1x16xf32>,
          %swap3A_158 = vector.shape_cast %swap3A_157 : vector<1x16xf32> to vector<16xf32>
          %swap3A_159 = vector.shape_cast %add3A_154 : vector<16xf32> to vector<1x16xf32>
          tpu.vector_store %arg10[%swap3A_155, %swap3A_156], %swap3A_159 {strides = array<i32>} : memref<128x128xf32, #tpu.memory_space<vmem>>, vector<1x16xf32>,
          %get3A_160 = arith.index_cast %scan3A_105 : i32 to index
          %get3A_161 = arith.constant 64 : index
          %get3A_162 = tpu.vector_load %arg8[%get3A_160, %get3A_161] {strides = array<i32>} : memref<128x128xf32, #tpu.memory_space<vmem>>, vector<1x16xf32>,
          %get3A_163 = vector.shape_cast %get3A_162 : vector<1x16xf32> to vector<16xf32>
          %get3A_164 = arith.index_cast %scan3A_105 : i32 to index
          %get3A_165 = arith.constant 64 : index
          %get3A_166 = tpu.vector_load %arg9[%get3A_164, %get3A_165] {strides = array<i32>} : memref<128x128xf32, #tpu.memory_space<vmem>>, vector<1x16xf32>,
          %get3A_167 = vector.shape_cast %get3A_166 : vector<1x16xf32> to vector<16xf32>
          %add3A_168 = arith.addf %get3A_163, %get3A_167 : vector<16xf32>
          %swap3A_169 = arith.index_cast %scan3A_105 : i32 to index
          %swap3A_170 = arith.constant 64 : index
          %swap3A_171 = tpu.vector_load %arg10[%swap3A_169, %swap3A_170] {strides = array<i32>} : memref<128x128xf32, #tpu.memory_space<vmem>>, vector<1x16xf32>,
          %swap3A_172 = vector.shape_cast %swap3A_171 : vector<1x16xf32> to vector<16xf32>
          %swap3A_173 = vector.shape_cast %add3A_168 : vector<16xf32> to vector<1x16xf32>
          tpu.vector_store %arg10[%swap3A_169, %swap3A_170], %swap3A_173 {strides = array<i32>} : memref<128x128xf32, #tpu.memory_space<vmem>>, vector<1x16xf32>,
          %get3A_174 = arith.index_cast %scan3A_105 : i32 to index
          %get3A_175 = arith.constant 80 : index
          %get3A_176 = tpu.vector_load %arg8[%get3A_174, %get3A_175] {strides = array<i32>} : memref<128x128xf32, #tpu.memory_space<vmem>>, vector<1x16xf32>,
          %get3A_177 = vector.shape_cast %get3A_176 : vector<1x16xf32> to vector<16xf32>
          %get3A_178 = arith.index_cast %scan3A_105 : i32 to index
          %get3A_179 = arith.constant 80 : index
          %get3A_180 = tpu.vector_load %arg9[%get3A_178, %get3A_179] {strides = array<i32>} : memref<128x128xf32, #tpu.memory_space<vmem>>, vector<1x16xf32>,
          %get3A_181 = vector.shape_cast %get3A_180 : vector<1x16xf32> to vector<16xf32>
          %add3A_182 = arith.addf %get3A_177, %get3A_181 : vector<16xf32>
          %swap3A_183 = arith.index_cast %scan3A_105 : i32 to index
          %swap3A_184 = arith.constant 80 : index
          %swap3A_185 = tpu.vector_load %arg10[%swap3A_183, %swap3A_184] {strides = array<i32>} : memref<128x128xf32, #tpu.memory_space<vmem>>, vector<1x16xf32>,
          %swap3A_186 = vector.shape_cast %swap3A_185 : vector<1x16xf32> to vector<16xf32>
          %swap3A_187 = vector.shape_cast %add3A_182 : vector<16xf32> to vector<1x16xf32>
          tpu.vector_store %arg10[%swap3A_183, %swap3A_184], %swap3A_187 {strides = array<i32>} : memref<128x128xf32, #tpu.memory_space<vmem>>, vector<1x16xf32>,
          %get3A_188 = arith.index_cast %scan3A_105 : i32 to index
          %get3A_189 = arith.constant 96 : index
          %get3A_190 = tpu.vector_load %arg8[%get3A_188, %get3A_189] {strides = array<i32>} : memref<128x128xf32, #tpu.memory_space<vmem>>, vector<1x16xf32>,
          %get3A_191 = vector.shape_cast %get3A_190 : vector<1x16xf32> to vector<16xf32>
          %get3A_192 = arith.index_cast %scan3A_105 : i32 to index
          %get3A_193 = arith.constant 96 : index
          %get3A_194 = tpu.vector_load %arg9[%get3A_192, %get3A_193] {strides = array<i32>} : memref<128x128xf32, #tpu.memory_space<vmem>>, vector<1x16xf32>,
          %get3A_195 = vector.shape_cast %get3A_194 : vector<1x16xf32> to vector<16xf32>
          %add3A_196 = arith.addf %get3A_191, %get3A_195 : vector<16xf32>
          %swap3A_197 = arith.index_cast %scan3A_105 : i32 to index
          %swap3A_198 = arith.constant 96 : index
          %swap3A_199 = tpu.vector_load %arg10[%swap3A_197, %swap3A_198] {strides = array<i32>} : memref<128x128xf32, #tpu.memory_space<vmem>>, vector<1x16xf32>,
          %swap3A_200 = vector.shape_cast %swap3A_199 : vector<1x16xf32> to vector<16xf32>
          %swap3A_201 = vector.shape_cast %add3A_196 : vector<16xf32> to vector<1x16xf32>
          tpu.vector_store %arg10[%swap3A_197, %swap3A_198], %swap3A_201 {strides = array<i32>} : memref<128x128xf32, #tpu.memory_space<vmem>>, vector<1x16xf32>,
          %get3A_202 = arith.index_cast %scan3A_105 : i32 to index
          %get3A_203 = arith.constant 112 : index
          %get3A_204 = tpu.vector_load %arg8[%get3A_202, %get3A_203] {strides = array<i32>} : memref<128x128xf32, #tpu.memory_space<vmem>>, vector<1x16xf32>,
          %get3A_205 = vector.shape_cast %get3A_204 : vector<1x16xf32> to vector<16xf32>
          %get3A_206 = arith.index_cast %scan3A_105 : i32 to index
          %get3A_207 = arith.constant 112 : index
          %get3A_208 = tpu.vector_load %arg9[%get3A_206, %get3A_207] {strides = array<i32>} : memref<128x128xf32, #tpu.memory_space<vmem>>, vector<1x16xf32>,
          %get3A_209 = vector.shape_cast %get3A_208 : vector<1x16xf32> to vector<16xf32>
          %add3A_210 = arith.addf %get3A_205, %get3A_209 : vector<16xf32>
          %swap3A_211 = arith.index_cast %scan3A_105 : i32 to index
          %swap3A_212 = arith.constant 112 : index
          %swap3A_213 = tpu.vector_load %arg10[%swap3A_211, %swap3A_212] {strides = array<i32>} : memref<128x128xf32, #tpu.memory_space<vmem>>, vector<1x16xf32>,
          %swap3A_214 = vector.shape_cast %swap3A_213 : vector<1x16xf32> to vector<16xf32>
          %swap3A_215 = vector.shape_cast %add3A_210 : vector<16xf32> to vector<1x16xf32>
          tpu.vector_store %arg10[%swap3A_211, %swap3A_212], %swap3A_215 {strides = array<i32>} : memref<128x128xf32, #tpu.memory_space<vmem>>, vector<1x16xf32>,
        }
        %scan3A_97 = arith.constant 128 : i32
        %dma_start3A = arith.constant 0 : i32
        %dma_start3A_98 = arith.constant 0 : i32
        %dma_start3A_99 = tpu.memref_slice %arg5[%add3A_82, %dma_start3A, %dma_start3A_98] : memref<2500x128x128xf32, #tpu.memory_space<hbm>> -> memref<1x128x128xf32, #tpu.memory_space<hbm>>
        %dma_start3A_100 = tpu.memref_squeeze %dma_start3A_99 : memref<1x128x128xf32, #tpu.memory_space<hbm>> -> memref<128x128xf32, #tpu.memory_space<hbm>>
        %dma_start3A_101 = arith.constant 0 : i32
        %dma_start3A_102 = arith.constant 0 : i32
        %dma_start3A_103 = tpu.memref_slice %arg5[%add3A_82, %dma_start3A_101, %dma_start3A_102] : memref<2500x128x128xf32, #tpu.memory_space<hbm>> -> memref<1x128x128xf32, #tpu.memory_space<hbm>>
        %dma_start3A_104 = tpu.memref_squeeze %dma_start3A_103 : memref<1x128x128xf32, #tpu.memory_space<hbm>> -> memref<128x128xf32, #tpu.memory_space<hbm>>
        tpu.enqueue_dma source(%arg10 : memref<128x128xf32, #tpu.memory_space<vmem>>) target(%dma_start3A_104 : memref<128x128xf32, #tpu.memory_space<hbm>>) target_semaphore(%arg18 : memref<!tpu.dma_semaphore, #tpu.memory_space<semaphore_mem>>)
      } else {
      }
      %mul3A_72 = arith.constant 2 : i32
      %mul3A_73 = arith.muli %mul3A_72, %while3A_48 : i32
      %add3A_74 = arith.constant 1 : i32
      %add3A_75 = arith.addi %mul3A_73, %add3A_74 : i32
      %lt3A_76 = arith.cmpi slt, %add3A_75, %add3A_3 : i32
      %convert_element_type3A_77 = arith.extui %lt3A_76 : i1 to i32
      %cond3A_78 = arith.constant 0 : i32
      %cond3A_79 = arith.cmpi ne, %convert_element_type3A_77, %cond3A_78 : i32
      scf.if %cond3A_79 {
        %mul3A_80 = arith.constant 32 : i32
        %mul3A_81 = arith.muli %add3A_75, %mul3A_80 : i32
        %add3A_82 = arith.addi %add3A, %mul3A_81 : i32
        %dma_wait3A_83 = arith.constant 0 : i32
        %dma_wait3A_84 = arith.constant 0 : i32
        %dma_wait3A_85 = tpu.memref_slice %arg2[%dma_wait3A_83, %dma_wait3A_84] : memref<10000x128xf32, #tpu.memory_space<hbm>> -> memref<10000x128xf32, #tpu.memory_space<hbm>>
        tpu.wait_indirect_dma semaphore(%arg17 : memref<!tpu.dma_semaphore, #tpu.memory_space<semaphore_mem>>) src(%dma_wait3A_85 : memref<10000x128xf32, #tpu.memory_space<hbm>>) dst(%arg13 : memref<128x128xf32, #tpu.memory_space<vmem>>)
        %dma_wait3A_86 = arith.constant 0 : i32
        %dma_wait3A_87 = arith.constant 0 : i32
        %dma_wait3A_88 = tpu.memref_slice %arg2[%dma_wait3A_86, %dma_wait3A_87] : memref<10000x128xf32, #tpu.memory_space<hbm>> -> memref<10000x128xf32, #tpu.memory_space<hbm>>
        tpu.wait_indirect_dma semaphore(%arg17 : memref<!tpu.dma_semaphore, #tpu.memory_space<semaphore_mem>>) src(%dma_wait3A_88 : memref<10000x128xf32, #tpu.memory_space<hbm>>) dst(%arg14 : memref<128x128xf32, #tpu.memory_space<vmem>>)
        %gt3A = arith.constant 0 : i32
        %gt3A_89 = arith.cmpi sgt, %while3A_48, %gt3A : i32
        %convert_element_type3A_90 = arith.extui %gt3A_89 : i1 to i32
        %cond3A_91 = arith.constant 0 : i32
        %cond3A_92 = arith.cmpi ne, %convert_element_type3A_90, %cond3A_91 : i32
        scf.if %cond3A_92 {
          %dma_wait3A_105 = arith.constant 0 : i32
          %dma_wait3A_106 = arith.constant 0 : i32
          %dma_wait3A_107 = arith.constant 0 : i32
          %dma_wait3A_108 = tpu.memref_slice %arg5[%dma_wait3A_105, %dma_wait3A_106, %dma_wait3A_107] : memref<2500x128x128xf32, #tpu.memory_space<hbm>> -> memref<1x128x128xf32, #tpu.memory_space<hbm>>
          %dma_wait3A_109 = tpu.memref_squeeze %dma_wait3A_108 : memref<1x128x128xf32, #tpu.memory_space<hbm>> -> memref<128x128xf32, #tpu.memory_space<hbm>>
          %dma_wait3A_110 = arith.constant 0 : i32
          %dma_wait3A_111 = arith.constant 0 : i32
          %dma_wait3A_112 = tpu.memref_slice %arg5[%dma_wait3A_105, %dma_wait3A_110, %dma_wait3A_111] : memref<2500x128x128xf32, #tpu.memory_space<hbm>> -> memref<1x128x128xf32, #tpu.memory_space<hbm>>
          %dma_wait3A_113 = tpu.memref_squeeze %dma_wait3A_112 : memref<1x128x128xf32, #tpu.memory_space<hbm>> -> memref<128x128xf32, #tpu.memory_space<hbm>>
          tpu.wait_dma2 semaphore(%arg19 : memref<!tpu.dma_semaphore, #tpu.memory_space<semaphore_mem>>) src(%dma_wait3A_113 : memref<128x128xf32, #tpu.memory_space<hbm>>) dst(%arg15 : memref<128x128xf32, #tpu.memory_space<vmem>>)
        } else {
        }
        %scan3A = arith.constant 0 : i32
        %scan3A_93 = arith.constant 0 : i32
        %scan3A_94 = arith.constant 128 : i32
        %scan3A_95 = arith.addi %scan3A_93, %scan3A_94 : i32
        %scan3A_96 = arith.constant 1 : i32
        scf.for %scan3A_105 = %scan3A_93 to %scan3A_95 step %scan3A_96  : i32 {
          %get3A = arith.index_cast %scan3A_105 : i32 to index
          %get3A_106 = arith.constant 0 : index
          %get3A_107 = tpu.vector_load %arg13[%get3A, %get3A_106] {strides = array<i32>} : memref<128x128xf32, #tpu.memory_space<vmem>>, vector<1x16xf32>,
          %get3A_108 = vector.shape_cast %get3A_107 : vector<1x16xf32> to vector<16xf32>
          %get3A_109 = arith.index_cast %scan3A_105 : i32 to index
          %get3A_110 = arith.constant 0 : index
          %get3A_111 = tpu.vector_load %arg14[%get3A_109, %get3A_110] {strides = array<i32>} : memref<128x128xf32, #tpu.memory_space<vmem>>, vector<1x16xf32>,
          %get3A_112 = vector.shape_cast %get3A_111 : vector<1x16xf32> to vector<16xf32>
          %add3A_113 = arith.addf %get3A_108, %get3A_112 : vector<16xf32>
          %swap3A = arith.index_cast %scan3A_105 : i32 to index
          %swap3A_114 = arith.constant 0 : index
          %swap3A_115 = tpu.vector_load %arg15[%swap3A, %swap3A_114] {strides = array<i32>} : memref<128x128xf32, #tpu.memory_space<vmem>>, vector<1x16xf32>,
          %swap3A_116 = vector.shape_cast %swap3A_115 : vector<1x16xf32> to vector<16xf32>
          %swap3A_117 = vector.shape_cast %add3A_113 : vector<16xf32> to vector<1x16xf32>
          tpu.vector_store %arg15[%swap3A, %swap3A_114], %swap3A_117 {strides = array<i32>} : memref<128x128xf32, #tpu.memory_space<vmem>>, vector<1x16xf32>,
          %get3A_118 = arith.index_cast %scan3A_105 : i32 to index
          %get3A_119 = arith.constant 16 : index
          %get3A_120 = tpu.vector_load %arg13[%get3A_118, %get3A_119] {strides = array<i32>} : memref<128x128xf32, #tpu.memory_space<vmem>>, vector<1x16xf32>,
          %get3A_121 = vector.shape_cast %get3A_120 : vector<1x16xf32> to vector<16xf32>
          %get3A_122 = arith.index_cast %scan3A_105 : i32 to index
          %get3A_123 = arith.constant 16 : index
          %get3A_124 = tpu.vector_load %arg14[%get3A_122, %get3A_123] {strides = array<i32>} : memref<128x128xf32, #tpu.memory_space<vmem>>, vector<1x16xf32>,
          %get3A_125 = vector.shape_cast %get3A_124 : vector<1x16xf32> to vector<16xf32>
          %add3A_126 = arith.addf %get3A_121, %get3A_125 : vector<16xf32>
          %swap3A_127 = arith.index_cast %scan3A_105 : i32 to index
          %swap3A_128 = arith.constant 16 : index
          %swap3A_129 = tpu.vector_load %arg15[%swap3A_127, %swap3A_128] {strides = array<i32>} : memref<128x128xf32, #tpu.memory_space<vmem>>, vector<1x16xf32>,
          %swap3A_130 = vector.shape_cast %swap3A_129 : vector<1x16xf32> to vector<16xf32>
          %swap3A_131 = vector.shape_cast %add3A_126 : vector<16xf32> to vector<1x16xf32>
          tpu.vector_store %arg15[%swap3A_127, %swap3A_128], %swap3A_131 {strides = array<i32>} : memref<128x128xf32, #tpu.memory_space<vmem>>, vector<1x16xf32>,
          %get3A_132 = arith.index_cast %scan3A_105 : i32 to index
          %get3A_133 = arith.constant 32 : index
          %get3A_134 = tpu.vector_load %arg13[%get3A_132, %get3A_133] {strides = array<i32>} : memref<128x128xf32, #tpu.memory_space<vmem>>, vector<1x16xf32>,
          %get3A_135 = vector.shape_cast %get3A_134 : vector<1x16xf32> to vector<16xf32>
          %get3A_136 = arith.index_cast %scan3A_105 : i32 to index
          %get3A_137 = arith.constant 32 : index
          %get3A_138 = tpu.vector_load %arg14[%get3A_136, %get3A_137] {strides = array<i32>} : memref<128x128xf32, #tpu.memory_space<vmem>>, vector<1x16xf32>,
          %get3A_139 = vector.shape_cast %get3A_138 : vector<1x16xf32> to vector<16xf32>
          %add3A_140 = arith.addf %get3A_135, %get3A_139 : vector<16xf32>
          %swap3A_141 = arith.index_cast %scan3A_105 : i32 to index
          %swap3A_142 = arith.constant 32 : index
          %swap3A_143 = tpu.vector_load %arg15[%swap3A_141, %swap3A_142] {strides = array<i32>} : memref<128x128xf32, #tpu.memory_space<vmem>>, vector<1x16xf32>,
          %swap3A_144 = vector.shape_cast %swap3A_143 : vector<1x16xf32> to vector<16xf32>
          %swap3A_145 = vector.shape_cast %add3A_140 : vector<16xf32> to vector<1x16xf32>
          tpu.vector_store %arg15[%swap3A_141, %swap3A_142], %swap3A_145 {strides = array<i32>} : memref<128x128xf32, #tpu.memory_space<vmem>>, vector<1x16xf32>,
          %get3A_146 = arith.index_cast %scan3A_105 : i32 to index
          %get3A_147 = arith.constant 48 : index
          %get3A_148 = tpu.vector_load %arg13[%get3A_146, %get3A_147] {strides = array<i32>} : memref<128x128xf32, #tpu.memory_space<vmem>>, vector<1x16xf32>,
          %get3A_149 = vector.shape_cast %get3A_148 : vector<1x16xf32> to vector<16xf32>
          %get3A_150 = arith.index_cast %scan3A_105 : i32 to index
          %get3A_151 = arith.constant 48 : index
          %get3A_152 = tpu.vector_load %arg14[%get3A_150, %get3A_151] {strides = array<i32>} : memref<128x128xf32, #tpu.memory_space<vmem>>, vector<1x16xf32>,
          %get3A_153 = vector.shape_cast %get3A_152 : vector<1x16xf32> to vector<16xf32>
          %add3A_154 = arith.addf %get3A_149, %get3A_153 : vector<16xf32>
          %swap3A_155 = arith.index_cast %scan3A_105 : i32 to index
          %swap3A_156 = arith.constant 48 : index
          %swap3A_157 = tpu.vector_load %arg15[%swap3A_155, %swap3A_156] {strides = array<i32>} : memref<128x128xf32, #tpu.memory_space<vmem>>, vector<1x16xf32>,
          %swap3A_158 = vector.shape_cast %swap3A_157 : vector<1x16xf32> to vector<16xf32>
          %swap3A_159 = vector.shape_cast %add3A_154 : vector<16xf32> to vector<1x16xf32>
          tpu.vector_store %arg15[%swap3A_155, %swap3A_156], %swap3A_159 {strides = array<i32>} : memref<128x128xf32, #tpu.memory_space<vmem>>, vector<1x16xf32>,
          %get3A_160 = arith.index_cast %scan3A_105 : i32 to index
          %get3A_161 = arith.constant 64 : index
          %get3A_162 = tpu.vector_load %arg13[%get3A_160, %get3A_161] {strides = array<i32>} : memref<128x128xf32, #tpu.memory_space<vmem>>, vector<1x16xf32>,
          %get3A_163 = vector.shape_cast %get3A_162 : vector<1x16xf32> to vector<16xf32>
          %get3A_164 = arith.index_cast %scan3A_105 : i32 to index
          %get3A_165 = arith.constant 64 : index
          %get3A_166 = tpu.vector_load %arg14[%get3A_164, %get3A_165] {strides = array<i32>} : memref<128x128xf32, #tpu.memory_space<vmem>>, vector<1x16xf32>,
          %get3A_167 = vector.shape_cast %get3A_166 : vector<1x16xf32> to vector<16xf32>
          %add3A_168 = arith.addf %get3A_163, %get3A_167 : vector<16xf32>
          %swap3A_169 = arith.index_cast %scan3A_105 : i32 to index
          %swap3A_170 = arith.constant 64 : index
          %swap3A_171 = tpu.vector_load %arg15[%swap3A_169, %swap3A_170] {strides = array<i32>} : memref<128x128xf32, #tpu.memory_space<vmem>>, vector<1x16xf32>,
          %swap3A_172 = vector.shape_cast %swap3A_171 : vector<1x16xf32> to vector<16xf32>
          %swap3A_173 = vector.shape_cast %add3A_168 : vector<16xf32> to vector<1x16xf32>
          tpu.vector_store %arg15[%swap3A_169, %swap3A_170], %swap3A_173 {strides = array<i32>} : memref<128x128xf32, #tpu.memory_space<vmem>>, vector<1x16xf32>,
          %get3A_174 = arith.index_cast %scan3A_105 : i32 to index
          %get3A_175 = arith.constant 80 : index
          %get3A_176 = tpu.vector_load %arg13[%get3A_174, %get3A_175] {strides = array<i32>} : memref<128x128xf32, #tpu.memory_space<vmem>>, vector<1x16xf32>,
          %get3A_177 = vector.shape_cast %get3A_176 : vector<1x16xf32> to vector<16xf32>
          %get3A_178 = arith.index_cast %scan3A_105 : i32 to index
          %get3A_179 = arith.constant 80 : index
          %get3A_180 = tpu.vector_load %arg14[%get3A_178, %get3A_179] {strides = array<i32>} : memref<128x128xf32, #tpu.memory_space<vmem>>, vector<1x16xf32>,
          %get3A_181 = vector.shape_cast %get3A_180 : vector<1x16xf32> to vector<16xf32>
          %add3A_182 = arith.addf %get3A_177, %get3A_181 : vector<16xf32>
          %swap3A_183 = arith.index_cast %scan3A_105 : i32 to index
          %swap3A_184 = arith.constant 80 : index
          %swap3A_185 = tpu.vector_load %arg15[%swap3A_183, %swap3A_184] {strides = array<i32>} : memref<128x128xf32, #tpu.memory_space<vmem>>, vector<1x16xf32>,
          %swap3A_186 = vector.shape_cast %swap3A_185 : vector<1x16xf32> to vector<16xf32>
          %swap3A_187 = vector.shape_cast %add3A_182 : vector<16xf32> to vector<1x16xf32>
          tpu.vector_store %arg15[%swap3A_183, %swap3A_184], %swap3A_187 {strides = array<i32>} : memref<128x128xf32, #tpu.memory_space<vmem>>, vector<1x16xf32>,
          %get3A_188 = arith.index_cast %scan3A_105 : i32 to index
          %get3A_189 = arith.constant 96 : index
          %get3A_190 = tpu.vector_load %arg13[%get3A_188, %get3A_189] {strides = array<i32>} : memref<128x128xf32, #tpu.memory_space<vmem>>, vector<1x16xf32>,
          %get3A_191 = vector.shape_cast %get3A_190 : vector<1x16xf32> to vector<16xf32>
          %get3A_192 = arith.index_cast %scan3A_105 : i32 to index
          %get3A_193 = arith.constant 96 : index
          %get3A_194 = tpu.vector_load %arg14[%get3A_192, %get3A_193] {strides = array<i32>} : memref<128x128xf32, #tpu.memory_space<vmem>>, vector<1x16xf32>,
          %get3A_195 = vector.shape_cast %get3A_194 : vector<1x16xf32> to vector<16xf32>
          %add3A_196 = arith.addf %get3A_191, %get3A_195 : vector<16xf32>
          %swap3A_197 = arith.index_cast %scan3A_105 : i32 to index
          %swap3A_198 = arith.constant 96 : index
          %swap3A_199 = tpu.vector_load %arg15[%swap3A_197, %swap3A_198] {strides = array<i32>} : memref<128x128xf32, #tpu.memory_space<vmem>>, vector<1x16xf32>,
          %swap3A_200 = vector.shape_cast %swap3A_199 : vector<1x16xf32> to vector<16xf32>
          %swap3A_201 = vector.shape_cast %add3A_196 : vector<16xf32> to vector<1x16xf32>
          tpu.vector_store %arg15[%swap3A_197, %swap3A_198], %swap3A_201 {strides = array<i32>} : memref<128x128xf32, #tpu.memory_space<vmem>>, vector<1x16xf32>,
          %get3A_202 = arith.index_cast %scan3A_105 : i32 to index
          %get3A_203 = arith.constant 112 : index
          %get3A_204 = tpu.vector_load %arg13[%get3A_202, %get3A_203] {strides = array<i32>} : memref<128x128xf32, #tpu.memory_space<vmem>>, vector<1x16xf32>,
          %get3A_205 = vector.shape_cast %get3A_204 : vector<1x16xf32> to vector<16xf32>
          %get3A_206 = arith.index_cast %scan3A_105 : i32 to index
          %get3A_207 = arith.constant 112 : index
          %get3A_208 = tpu.vector_load %arg14[%get3A_206, %get3A_207] {strides = array<i32>} : memref<128x128xf32, #tpu.memory_space<vmem>>, vector<1x16xf32>,
          %get3A_209 = vector.shape_cast %get3A_208 : vector<1x16xf32> to vector<16xf32>
          %add3A_210 = arith.addf %get3A_205, %get3A_209 : vector<16xf32>
          %swap3A_211 = arith.index_cast %scan3A_105 : i32 to index
          %swap3A_212 = arith.constant 112 : index
          %swap3A_213 = tpu.vector_load %arg15[%swap3A_211, %swap3A_212] {strides = array<i32>} : memref<128x128xf32, #tpu.memory_space<vmem>>, vector<1x16xf32>,
          %swap3A_214 = vector.shape_cast %swap3A_213 : vector<1x16xf32> to vector<16xf32>
          %swap3A_215 = vector.shape_cast %add3A_210 : vector<16xf32> to vector<1x16xf32>
          tpu.vector_store %arg15[%swap3A_211, %swap3A_212], %swap3A_215 {strides = array<i32>} : memref<128x128xf32, #tpu.memory_space<vmem>>, vector<1x16xf32>,
        }
        %scan3A_97 = arith.constant 128 : i32
        %dma_start3A = arith.constant 0 : i32
        %dma_start3A_98 = arith.constant 0 : i32
        %dma_start3A_99 = tpu.memref_slice %arg5[%add3A_82, %dma_start3A, %dma_start3A_98] : memref<2500x128x128xf32, #tpu.memory_space<hbm>> -> memref<1x128x128xf32, #tpu.memory_space<hbm>>
        %dma_start3A_100 = tpu.memref_squeeze %dma_start3A_99 : memref<1x128x128xf32, #tpu.memory_space<hbm>> -> memref<128x128xf32, #tpu.memory_space<hbm>>
        %dma_start3A_101 = arith.constant 0 : i32
        %dma_start3A_102 = arith.constant 0 : i32
        %dma_start3A_103 = tpu.memref_slice %arg5[%add3A_82, %dma_start3A_101, %dma_start3A_102] : memref<2500x128x128xf32, #tpu.memory_space<hbm>> -> memref<1x128x128xf32, #tpu.memory_space<hbm>>
        %dma_start3A_104 = tpu.memref_squeeze %dma_start3A_103 : memref<1x128x128xf32, #tpu.memory_space<hbm>> -> memref<128x128xf32, #tpu.memory_space<hbm>>
        tpu.enqueue_dma source(%arg15 : memref<128x128xf32, #tpu.memory_space<vmem>>) target(%dma_start3A_104 : memref<128x128xf32, #tpu.memory_space<hbm>>) target_semaphore(%arg19 : memref<!tpu.dma_semaphore, #tpu.memory_space<semaphore_mem>>)
      } else {
      }
    }
    %dma_wait3A = arith.constant 0 : i32
    %dma_wait3A_31 = arith.constant 0 : i32
    %dma_wait3A_32 = arith.constant 0 : i32
    %dma_wait3A_33 = tpu.memref_slice %arg5[%dma_wait3A, %dma_wait3A_31, %dma_wait3A_32] : memref<2500x128x128xf32, #tpu.memory_space<hbm>> -> memref<1x128x128xf32, #tpu.memory_space<hbm>>
    %dma_wait3A_34 = tpu.memref_squeeze %dma_wait3A_33 : memref<1x128x128xf32, #tpu.memory_space<hbm>> -> memref<128x128xf32, #tpu.memory_space<hbm>>
    %dma_wait3A_35 = arith.constant 0 : i32
    %dma_wait3A_36 = arith.constant 0 : i32
    %dma_wait3A_37 = tpu.memref_slice %arg5[%dma_wait3A, %dma_wait3A_35, %dma_wait3A_36] : memref<2500x128x128xf32, #tpu.memory_space<hbm>> -> memref<1x128x128xf32, #tpu.memory_space<hbm>>
    %dma_wait3A_38 = tpu.memref_squeeze %dma_wait3A_37 : memref<1x128x128xf32, #tpu.memory_space<hbm>> -> memref<128x128xf32, #tpu.memory_space<hbm>>
    tpu.wait_dma2 semaphore(%arg18 : memref<!tpu.dma_semaphore, #tpu.memory_space<semaphore_mem>>) src(%dma_wait3A_38 : memref<128x128xf32, #tpu.memory_space<hbm>>) dst(%arg10 : memref<128x128xf32, #tpu.memory_space<vmem>>)
    %dma_wait3A_39 = arith.constant 0 : i32
    %dma_wait3A_40 = arith.constant 0 : i32
    %dma_wait3A_41 = arith.constant 0 : i32
    %dma_wait3A_42 = tpu.memref_slice %arg5[%dma_wait3A_39, %dma_wait3A_40, %dma_wait3A_41] : memref<2500x128x128xf32, #tpu.memory_space<hbm>> -> memref<1x128x128xf32, #tpu.memory_space<hbm>>
    %dma_wait3A_43 = tpu.memref_squeeze %dma_wait3A_42 : memref<1x128x128xf32, #tpu.memory_space<hbm>> -> memref<128x128xf32, #tpu.memory_space<hbm>>
    %dma_wait3A_44 = arith.constant 0 : i32
    %dma_wait3A_45 = arith.constant 0 : i32
    %dma_wait3A_46 = tpu.memref_slice %arg5[%dma_wait3A_39, %dma_wait3A_44, %dma_wait3A_45] : memref<2500x128x128xf32, #tpu.memory_space<hbm>> -> memref<1x128x128xf32, #tpu.memory_space<hbm>>
    %dma_wait3A_47 = tpu.memref_squeeze %dma_wait3A_46 : memref<1x128x128xf32, #tpu.memory_space<hbm>> -> memref<128x128xf32, #tpu.memory_space<hbm>>
    tpu.wait_dma2 semaphore(%arg19 : memref<!tpu.dma_semaphore, #tpu.memory_space<semaphore_mem>>) src(%dma_wait3A_47 : memref<128x128xf32, #tpu.memory_space<hbm>>) dst(%arg15 : memref<128x128xf32, #tpu.memory_space<vmem>>)
    return
  }
}

module attributes {stable_mosaic.version = 14 : i64} {
  func.func @_combine_body(%arg0: i32, %arg1: memref<16x3200xf32, #tpu.memory_space<vmem>>, %arg2: memref<3200x128xf32, #tpu.memory_space<vmem>>, %arg3: memref<16x128xf32, #tpu.memory_space<vmem>>, %arg4: memref<1x128xf32, #tpu.memory_space<vmem>>, %arg5: memref<1x128xf32, #tpu.memory_space<vmem>>, %arg6: memref<1x128xf32, #tpu.memory_space<vmem>>, %arg7: memref<1x128xf32, #tpu.memory_space<vmem>>, %arg8: memref<3200x128xf32, #tpu.memory_space<vmem>>) attributes {dimension_semantics = [#tpu.dimension_semantics<arbitrary>], iteration_bounds = array<i64: 100>, scalar_prefetch = 0 : i64, scratch_operands = 0 : i64, tpu.core_type = #tpu.core_type<tc>, window_params = [{transform_indices = @transform_0, window_bounds = array<i64: 16, 3200>}, {transform_indices = @transform_1, window_bounds = array<i64: 3200, 128>}, {pipeline_mode = #tpu.pipeline_mode<synchronous>, transform_indices = @transform_2, window_bounds = array<i64: 16, 128>}, {pipeline_mode = #tpu.pipeline_mode<synchronous>, transform_indices = @transform_3, window_bounds = array<i64: 1, 128>}, {pipeline_mode = #tpu.pipeline_mode<synchronous>, transform_indices = @transform_4, window_bounds = array<i64: 1, 128>}, {pipeline_mode = #tpu.pipeline_mode<synchronous>, transform_indices = @transform_5, window_bounds = array<i64: 1, 128>}, {pipeline_mode = #tpu.pipeline_mode<synchronous>, transform_indices = @transform_6, window_bounds = array<i64: 1, 128>}, {transform_indices = @transform_7, window_bounds = array<i64: 3200, 128>}]} {
    %get3A = arith.constant 0 : index
    %get3A_0 = arith.constant 0 : index
    %get3A_1 = vector.load %arg1[%get3A, %get3A_0] : memref<16x3200xf32, #tpu.memory_space<vmem>>, vector<16x3200xf32>
    %get3A_2 = arith.constant 0 : index
    %get3A_3 = arith.constant 0 : index
    %get3A_4 = vector.load %arg3[%get3A_2, %get3A_3] : memref<16x128xf32, #tpu.memory_space<vmem>>, vector<16x128xf32>
    %dot_general3A = arith.constant dense<0.000000e+00> : vector<3200x128xf32>
    %dot_general3A_5 = tpu.matmul %get3A_1, %get3A_4, %dot_general3A {dimension_numbers = #tpu.dot_dimension_numbers<[0], [0], [1], [1], [0, 1, 1, 1], [], []>, transpose_lhs_hint = false} : vector<16x3200xf32>, vector<16x128xf32>, vector<3200x128xf32> -> vector<3200x128xf32>
    %get3A_6 = arith.constant 0 : index
    %get3A_7 = arith.constant 0 : index
    %get3A_8 = vector.load %arg2[%get3A_6, %get3A_7] : memref<3200x128xf32, #tpu.memory_space<vmem>>, vector<3200x128xf32>
    %mul3A = arith.constant 5.000000e-01 : f32
    %mul3A_9 = vector.broadcast %mul3A : f32 to vector<3200x128xf32>
    %mul3A_10 = arith.mulf %get3A_8, %mul3A_9 : vector<3200x128xf32>
    %add3A = arith.addf %dot_general3A_5, %mul3A_10 : vector<3200x128xf32>
    %get3A_11 = arith.constant 0 : index
    %get3A_12 = arith.constant 0 : index
    %get3A_13 = vector.load %arg4[%get3A_11, %get3A_12] : memref<1x128xf32, #tpu.memory_space<vmem>>, vector<1x128xf32>
    %add3A_14 = vector.broadcast %get3A_13 : vector<1x128xf32> to vector<3200x128xf32>
    %add3A_15 = arith.addf %add3A, %add3A_14 : vector<3200x128xf32>
    %get3A_16 = arith.constant 0 : index
    %get3A_17 = arith.constant 0 : index
    %get3A_18 = vector.load %arg5[%get3A_16, %get3A_17] : memref<1x128xf32, #tpu.memory_space<vmem>>, vector<1x128xf32>
    %add3A_19 = vector.broadcast %get3A_18 : vector<1x128xf32> to vector<3200x128xf32>
    %add3A_20 = arith.addf %add3A_15, %add3A_19 : vector<3200x128xf32>
    %reduce_sum3A = arith.constant dense<0.000000e+00> : vector<3200xf32>
    %reduce_sum3A_21 = vector.multi_reduction <add>, %add3A_20, %reduce_sum3A [1] : vector<3200x128xf32> to vector<3200xf32>
    %broadcast_in_dim3A = vector.shape_cast %reduce_sum3A_21 : vector<3200xf32> to vector<3200x1xf32>
    %div3A = arith.constant 1.280000e+02 : f32
    %div3A_22 = vector.broadcast %div3A : f32 to vector<3200x1xf32>
    %div3A_23 = arith.divf %broadcast_in_dim3A, %div3A_22 : vector<3200x1xf32>
    %sub3A = vector.broadcast %div3A_23 : vector<3200x1xf32> to vector<3200x128xf32>
    %sub3A_24 = arith.subf %add3A_20, %sub3A : vector<3200x128xf32>
    %mul3A_25 = arith.mulf %sub3A_24, %sub3A_24 : vector<3200x128xf32>
    %reduce_sum3A_26 = arith.constant dense<0.000000e+00> : vector<3200xf32>
    %reduce_sum3A_27 = vector.multi_reduction <add>, %mul3A_25, %reduce_sum3A_26 [1] : vector<3200x128xf32> to vector<3200xf32>
    %broadcast_in_dim3A_28 = vector.shape_cast %reduce_sum3A_27 : vector<3200xf32> to vector<3200x1xf32>
    %div3A_29 = arith.constant 1.280000e+02 : f32
    %div3A_30 = vector.broadcast %div3A_29 : f32 to vector<3200x1xf32>
    %div3A_31 = arith.divf %broadcast_in_dim3A_28, %div3A_30 : vector<3200x1xf32>
    %add3A_32 = arith.constant 9.99999974E-6 : f32
    %add3A_33 = vector.broadcast %add3A_32 : f32 to vector<3200x1xf32>
    %add3A_34 = arith.addf %div3A_31, %add3A_33 : vector<3200x1xf32>
    %rsqrt3A = math.rsqrt %add3A_34 : vector<3200x1xf32>
    %mul3A_35 = vector.broadcast %rsqrt3A : vector<3200x1xf32> to vector<3200x128xf32>
    %mul3A_36 = arith.mulf %sub3A_24, %mul3A_35 : vector<3200x128xf32>
    %get3A_37 = arith.constant 0 : index
    %get3A_38 = arith.constant 0 : index
    %get3A_39 = vector.load %arg6[%get3A_37, %get3A_38] : memref<1x128xf32, #tpu.memory_space<vmem>>, vector<1x128xf32>
    %mul3A_40 = vector.broadcast %get3A_39 : vector<1x128xf32> to vector<3200x128xf32>
    %mul3A_41 = arith.mulf %mul3A_36, %mul3A_40 : vector<3200x128xf32>
    %get3A_42 = arith.constant 0 : index
    %get3A_43 = arith.constant 0 : index
    %get3A_44 = vector.load %arg7[%get3A_42, %get3A_43] : memref<1x128xf32, #tpu.memory_space<vmem>>, vector<1x128xf32>
    %add3A_45 = vector.broadcast %get3A_44 : vector<1x128xf32> to vector<3200x128xf32>
    %add3A_46 = arith.addf %mul3A_41, %add3A_45 : vector<3200x128xf32>
    %swap3A = arith.constant 0 : index
    %swap3A_47 = arith.constant 0 : index
    %swap3A_48 = vector.load %arg8[%swap3A, %swap3A_47] : memref<3200x128xf32, #tpu.memory_space<vmem>>, vector<3200x128xf32>
    tpu.vector_store %arg8[%swap3A, %swap3A_47], %add3A_46 {strides = array<i32>} : memref<3200x128xf32, #tpu.memory_space<vmem>>, vector<3200x128xf32>,
    return
  }
  func.func @transform_0(%arg0: i32) -> (i32, i32) {
    %c0_i32 = arith.constant 0 : i32
    %c0_i32_0 = arith.constant 0 : i32
    return %c0_i32, %arg0 : i32, i32
  }
  func.func @transform_1(%arg0: i32) -> (i32, i32) {
    %c0_i32 = arith.constant 0 : i32
    %c0_i32_0 = arith.constant 0 : i32
    return %arg0, %c0_i32 : i32, i32
  }
  func.func @transform_2(%arg0: i32) -> (i32, i32) {
    %c0_i32 = arith.constant 0 : i32
    %c0_i32_0 = arith.constant 0 : i32
    %c0_i32_1 = arith.constant 0 : i32
    return %c0_i32, %c0_i32_0 : i32, i32
  }
  func.func @transform_3(%arg0: i32) -> (i32, i32) {
    %c0_i32 = arith.constant 0 : i32
    %c0_i32_0 = arith.constant 0 : i32
    %c0_i32_1 = arith.constant 0 : i32
    return %c0_i32, %c0_i32_0 : i32, i32
  }
  func.func @transform_4(%arg0: i32) -> (i32, i32) {
    %c0_i32 = arith.constant 0 : i32
    %c0_i32_0 = arith.constant 0 : i32
    %c0_i32_1 = arith.constant 0 : i32
    return %c0_i32, %c0_i32_0 : i32, i32
  }
  func.func @transform_5(%arg0: i32) -> (i32, i32) {
    %c0_i32 = arith.constant 0 : i32
    %c0_i32_0 = arith.constant 0 : i32
    %c0_i32_1 = arith.constant 0 : i32
    return %c0_i32, %c0_i32_0 : i32, i32
  }
  func.func @transform_6(%arg0: i32) -> (i32, i32) {
    %c0_i32 = arith.constant 0 : i32
    %c0_i32_0 = arith.constant 0 : i32
    %c0_i32_1 = arith.constant 0 : i32
    return %c0_i32, %c0_i32_0 : i32, i32
  }
  func.func @transform_7(%arg0: i32) -> (i32, i32) {
    %c0_i32 = arith.constant 0 : i32
    %c0_i32_0 = arith.constant 0 : i32
    return %arg0, %c0_i32 : i32, i32
  }
}

module attributes {stable_mosaic.version = 14 : i64} {
  func.func @_node_proj_body(%arg0: i32, %arg1: memref<2000x128xf32, #tpu.memory_space<vmem>>, %arg2: memref<128x128xf32, #tpu.memory_space<vmem>>, %arg3: memref<2000x128xf32, #tpu.memory_space<vmem>>) attributes {dimension_semantics = [#tpu.dimension_semantics<arbitrary>], iteration_bounds = array<i64: 5>, scalar_prefetch = 0 : i64, scratch_operands = 0 : i64, tpu.core_type = #tpu.core_type<tc>, window_params = [{transform_indices = @transform_0, window_bounds = array<i64: 2000, 128>}, {pipeline_mode = #tpu.pipeline_mode<synchronous>, transform_indices = @transform_1, window_bounds = array<i64: 128, 128>}, {transform_indices = @transform_2, window_bounds = array<i64: 2000, 128>}]} {
    %get3A = arith.constant 0 : index
    %get3A_0 = arith.constant 0 : index
    %get3A_1 = vector.load %arg1[%get3A, %get3A_0] : memref<2000x128xf32, #tpu.memory_space<vmem>>, vector<2000x128xf32>
    %get3A_2 = arith.constant 0 : index
    %get3A_3 = arith.constant 0 : index
    %get3A_4 = vector.load %arg2[%get3A_2, %get3A_3] : memref<128x128xf32, #tpu.memory_space<vmem>>, vector<128x128xf32>
    %dot_general3A = arith.constant dense<0.000000e+00> : vector<2000x128xf32>
    %dot_general3A_5 = tpu.matmul %get3A_1, %get3A_4, %dot_general3A {dimension_numbers = #tpu.dot_dimension_numbers<[1], [0], [0], [1], [0, 0, 1, 1], [], []>, transpose_lhs_hint = false} : vector<2000x128xf32>, vector<128x128xf32>, vector<2000x128xf32> -> vector<2000x128xf32>
    %swap3A = arith.constant 0 : index
    %swap3A_6 = arith.constant 0 : index
    %swap3A_7 = vector.load %arg3[%swap3A, %swap3A_6] : memref<2000x128xf32, #tpu.memory_space<vmem>>, vector<2000x128xf32>
    tpu.vector_store %arg3[%swap3A, %swap3A_6], %dot_general3A_5 {strides = array<i32>} : memref<2000x128xf32, #tpu.memory_space<vmem>>, vector<2000x128xf32>,
    return
  }
  func.func @transform_0(%arg0: i32) -> (i32, i32) {
    %c0_i32 = arith.constant 0 : i32
    %c0_i32_0 = arith.constant 0 : i32
    return %arg0, %c0_i32 : i32, i32
  }
  func.func @transform_1(%arg0: i32) -> (i32, i32) {
    %c0_i32 = arith.constant 0 : i32
    %c0_i32_0 = arith.constant 0 : i32
    %c0_i32_1 = arith.constant 0 : i32
    return %c0_i32, %c0_i32_0 : i32, i32
  }
  func.func @transform_2(%arg0: i32) -> (i32, i32) {
    %c0_i32 = arith.constant 0 : i32
    %c0_i32_0 = arith.constant 0 : i32
    return %arg0, %c0_i32 : i32, i32
  }
}

</mosaic_0001>

<sc_bundles>
// kernel: kernel.5.cloned.1.call-start
scs
__scs_entry_jumppad:
0x0: {  	(pc) =	sbr.rel $0x88, $3  }
0x1: {  	(tag) =	ssettag $0x0;
	lr =	simm.s32 $0x1  }
0x2: {  	[smem:$0x3F98] =	sst lr;
	_ =	strace $0xD0000000  }
0x3: {  	_ = 	snop  }
0x4: {  	_ = 	snop  }
0x5: {  	_ = 	snop  }
0x6: {  	_ = 	snop  }
0x7: {  	_ = 	snop  }
__scs_overlays_trampoline_lowered:
0x8: {  	[smem:$0x3FA7] =	sst s0  }
0x9: {  	[smem:$0x3FA8] =	sst s1  }
0xa: {  	[smem:$0x3FA9] =	sst s2  }
0xb: {  	[smem:$0x3FAA] =	sst s3  }
0xc: {  	[smem:$0x3FAB] =	sst s4  }
0xd: {  	[smem:$0x3FAC] =	sst s5  }
0xe: {  	[smem:$0x3FAD] =	sst s6  }
0xf: {  	[smem:$0x3FAE] =	sst s7  }
0x10: {  	[smem:$0x3FAF] =	sst s8  }
0x11: {  	[smem:$0x3FB0] =	sst s9;
	s0 =	simm.s32 @!p0 $0x0  }
0x12: {  	s1 =	sld [smem:$0x3F96];
	s0 =	simm.s32 @p0 $0x1  }
0x13: {  	[smem:$0x3FB1] =	sst s0;
	s0 =	simm.s32 @!p1 $0x0  }
0x14: {  	s2 =	sld [smem:$0x3F95];
	s0 =	simm.s32 @p1 $0x1  }
0x15: {  	[smem:$0x3FB2] =	sst s0;
	s0 =	simm.s32 @!p2 $0x0  }
0x16: {  	s3 =	sld [smem:$0x3FDB];
	s0 =	simm.s32 @p2 $0x1  }
0x17: {  	s4 =	simm.s32 $0x1BF5;
	[smem:$0x3FB4] =	sst s0  }
0x18: {  	s0 =	sld [smem:$0x3F97];
	_ =	swait.ge [sflag:s4], $0x0  }
0x19: {  	s7 =	sld [smem:$0x3F98]  }
0x1a: {  	s8 =	sadd.s32 $0xFFFFE003, lr  }
0x1b: {  	s9 =	sadd.s32 $0xFFFFFEF7, lr;
	s5 =	simm.s32 $0xFFFFFFFF;
	p2 =	slt.u32 s8, $0xFFFFF086  }
0x1c: {  	p1 =	slt.u32 s9, $0xF7A;
	s5 =	simm.s32 @!p2 $0x0  }
0x1d: {  	s5 =	simm.s32 @p1 $0x1;
	p0 =	seq.s32 s7, s2  }
0x1e: {  	s7 =	smul.u32 @!p0 $0xF7A, s2;
	p2 =	seq.s32 @!p0 s5, $0x0  }
0x1f: {  	s9 =	smul.u32 $0xF7A, s1;
	s8 =	simm.s32 @!p0 $0x1BF5;
	p2 =	por !p2, p0  }
0x20: {  	[sflag:s8] =	ssyncset.s32 @!p0 $0xFFFFF086;
	s6 =	sadd.s32 @!p0 s3, s7;
	s7 =	simm.s32 @!p0 $0x108  }
0x21: {  	s3 =	sadd.s32 s3, s9;
	s6 =	sadd.s32 @!p0 $0x88, s6;
	s7 =	simm.s32 @p2 $0x1082  }
0x22: {  	[simem:s7], [sflag:s8] =	dma.local @!p0 [hbm:s6], $0xF7A  }
0x23: {  	s9 =	sor.u32 $0xD0000000, s2;
	s6 =	simm.s32 $0x108;
	_ =	swait.ge @!p0 [sflag:s8], $0x0  }
0x24: {  	s3 =	sadd.s32 $0x88, s3;
	s6 =	simm.s32 @!p1 $0x1082;
	[sflag:s4] =	ssyncset.s32 $0xFFFFF086  }
0x25: {  	[simem:s6], [sflag:s4] =	dma.local [hbm:s3], $0xF7A  }
0x26: {  	[smem:$0x3F98] =	sst s1;
	(tag) =	ssettag s2;
	_ =	strace s9  }
0x27: {  	s1 =	sld [smem:$0x3FA8]  }
0x28: {  	s2 =	sld [smem:$0x3FA9]  }
0x29: {  	s4 =	sld [smem:$0x3FAB]  }
0x2a: {  	p0 =	seq.s32 s5, $0x0;
	s5 =	sld [smem:$0x3FAC]  }
0x2b: {  	s6 =	sld [smem:$0x3FAD]  }
0x2c: {  	s7 =	sld [smem:$0x3FAE]  }
0x2d: {  	s3 =	simm.s32 $0x108;
	s8 =	sld [smem:$0x3FAF]  }
0x2e: {  	s3 =	simm.s32 @!p0 $0x1082;
	s9 =	sld [smem:$0x3FB0]  }
0x2f: {  	lr =	sadd.s32 s0, s3;
	s0 =	sld [smem:$0x3FA7]  }
0x30: {  	s3 =	sld [smem:$0x3FAA]  }
0x31: {  	[smem:$0x3FB3] =	sst s10  }
0x32: {  	s10 =	sld [smem:$0x3FB1];
	_ =	sdelay $0x3  }
0x33: {  	p0 =	seq.s32 s10, $0x1;
	s10 =	sld [smem:$0x3FB3];
	_ =	sdelay $0x3  }
0x34: {  	[smem:$0x3FB3] =	sst s10  }
0x35: {  	s10 =	sld [smem:$0x3FB2];
	_ =	sdelay $0x3  }
0x36: {  	p1 =	seq.s32 s10, $0x1;
	s10 =	sld [smem:$0x3FB3];
	_ =	sdelay $0x3  }
0x37: {  	[smem:$0x3FB3] =	sst s10  }
0x38: {  	s10 =	sld [smem:$0x3FB4]  }
0x39: {  	_ = 	snop;
	(pc) =	sbr.ind lr, $3  }
0x3a: {  	_ = 	snop  }
0x3b: {  	_ = 	snop  }
0x3c: {  	p2 =	seq.s32 s10, $0x1;
	s10 =	sld [smem:$0x3FB3]  }
0x3d: {  	_ =	shalt  }
0x3e: {  	_ =	shalt  }
0x3f: {  	_ =	shalt  }
0x40: {  	_ =	shalt  }
0x41: {  	_ =	shalt  }
0x42: {  	_ =	shalt  }
0x43: {  	_ =	shalt  }
0x44: {  	_ =	shalt  }
0x45: {  	_ =	shalt  }
0x46: {  	_ =	shalt  }
0x47: {  	_ =	shalt  }
0x48: {  	_ =	shalt  }
0x49: {  	_ =	shalt  }
0x4a: {  	_ =	shalt  }
0x4b: {  	_ =	shalt  }
0x4c: {  	_ =	shalt  }
0x4d: {  	_ =	shalt  }
0x4e: {  	_ =	shalt  }
0x4f: {  	_ =	shalt  }
0x50: {  	_ =	shalt  }
0x51: {  	_ =	shalt  }
0x52: {  	_ =	shalt  }
0x53: {  	_ =	shalt  }
0x54: {  	_ =	shalt  }
0x55: {  	_ =	shalt  }
0x56: {  	_ =	shalt  }
0x57: {  	_ =	shalt  }
0x58: {  	_ =	shalt  }
0x59: {  	_ =	shalt  }
0x5a: {  	_ =	shalt  }
0x5b: {  	_ =	shalt  }
0x5c: {  	_ =	shalt  }
0x5d: {  	_ =	shalt  }
0x5e: {  	_ =	shalt  }
0x5f: {  	_ =	shalt  }
0x60: {  	_ =	shalt  }
0x61: {  	_ =	shalt  }
0x62: {  	_ =	shalt  }
0x63: {  	_ =	shalt  }
0x64: {  	_ =	shalt  }
0x65: {  	_ =	shalt  }
0x66: {  	_ =	shalt  }
0x67: {  	_ =	shalt  }
0x68: {  	_ =	shalt  }
0x69: {  	_ =	shalt  }
0x6a: {  	_ =	shalt  }
0x6b: {  	_ =	shalt  }
0x6c: {  	_ =	shalt  }
0x6d: {  	_ =	shalt  }
0x6e: {  	_ =	shalt  }
0x6f: {  	_ =	shalt  }
0x70: {  	_ =	shalt  }
0x71: {  	_ =	shalt  }
0x72: {  	_ =	shalt  }
0x73: {  	_ =	shalt  }
0x74: {  	_ =	shalt  }
0x75: {  	_ =	shalt  }
0x76: {  	_ =	shalt  }
0x77: {  	_ =	shalt  }
0x78: {  	_ =	shalt  }
0x79: {  	_ =	shalt  }
0x7a: {  	_ =	shalt  }
0x7b: {  	_ =	shalt  }
0x7c: {  	_ =	shalt  }
0x7d: {  	_ =	shalt  }
0x7e: {  	_ =	shalt  }
0x7f: {  	_ =	shalt  }
0x80: {  	_ =	shalt  }
0x81: {  	_ =	shalt  }
0x82: {  	_ =	shalt  }
0x83: {  	_ =	shalt  }
0x84: {  	_ =	shalt  }
0x85: {  	_ =	shalt  }
0x86: {  	_ =	shalt  }
0x87: {  	_ =	shalt  }
.Lfunc_end0:
.L_simem_size_0:
called_computation_lowered:
.L_overlay_start_0:
0x88: {  	s2 =	sld [smem:$0x3FD9]  }
0x89: {  	s3 =	sld [smem:$0x3FFE];
	_ =	sdelay $0x1  }
0x8a: {  	s1 =	srdreg.scid  }
0x8b: {  	s0 =	sand.u32 $0x1, s1  }
0x8c: {  	s17 =	sshll.u32 s0, $0xA;
	s2 =	sadd.s32 s3, s2  }
0x8d: {  	s2 =	sadd.s32 s2, s17  }
0x8e: {  	[smem:$0x3FBF] =	sst s2  }
0x8f: {  	_ = 	snop  }
0x90: {  	s2 =	sld [smem:$0x3FD0];
	(tm) =	ssettm $0x1  }
0x91: {  	s18 =	sld [smem:$0x3FFB];
	_ =	sdelay $0x3  }
0x92: {  	_ =	strace s18  }
0x93: {  	s3 =	sld [smem:$0x3FFC];
	_ =	sdelay $0x3  }
0x94: {  	_ =	strace s3  }
0x95: {  	s3 =	sld [smem:$0x3FFD];
	_ =	sdelay $0x3  }
0x96: {  	_ =	strace s3  }
0x97: {  	_ =	strace $0x8FFFFFFF  }
0x98: {  	s19 =	sld [smem:$0x3FDB];
	_ =	sdelay $0x1  }
0x99: {  	s4 =	simm.s32 $_scs_section_size  }
0x9a: {  	s5 =	simm.s32 $_size__tile_overlayer_lowered;
	s6 =	simm.s32 $_tile_overlayer_lowered  }
0x9b: {  	s22 =	simm.s32 $0x1BFF;
	s21 =	sshll.u32 s6, $0x1;
	s3 =	sadd.s32 s4, s19  }
0x9c: {  	s7 =	simm.s32 $0x0;
	s20 =	sshll.u32 s5, $0x1;
	s5 =	sadd.s32 s21, s3  }
0x9d: {  	[timem:s7], [sflag:s22] =	dma.local [hbm:s5], s20  }
0x9e: {  	_ =	swait.ge [sflag:s22], s20  }
0x9f: {  	s4 =	ssub.s32 $0x0, s20;
	[sflag:s22] =	ssyncset.done $0x0  }
0xa0: {  	[sflag:s22] =	ssyncadd.s32 s4;
	_ =	sdelay $0x1  }
0xa1: {  	s23 =	simm.s32 $0x1B8B  }
0xa2: {  	_ =	swait.ge [sflag:s23], $0x1  }
0xa3: {  	[sflag:s23] =	ssyncset.done $0x0  }
0xa4: {  	s25 =	simm.s32 $0x1B8E;
	s24 =	sld [smem:$0x3FFE];
	[sflag:s23] =	ssyncadd.s32 $0xFFFFFFFF  }
0xa5: {  	s26 =	simm.s32 $execute0_lowered;
	[smem:$0x3FD2] =	sst s25  }
0xa6: {  	s5 =	sshll.u32 s26, $0x1;
	_ =	strace $0x80000046;
	[dreg:$0x1] =	wrdreg $0xFFFFFFFF  }
0xa7: {  	s28 =	simm.s32 $_size_execute0_lowered;
	s3 =	sadd.s32 s3, s5;
	[dreg:$0x0] =	wrdreg $0x0  }
0xa8: {  	s5 =	sshll.u32 s28, $0x1;
	[dreg:$0x2] =	wrdreg s3  }
0xa9: {  	[dreg:$0x3] =	wrdreg s5  }
0xaa: {  	[dreg:$0x4] =	wrdreg $0xC0  }
0xab: {  	_ =	task [dreg:s7], $0x5FFFF  }
0xac: {  	[dreg:$0x1] =	wrdreg $0xFFFFFFFF  }
0xad: {  	[dreg:$0x0] =	wrdreg $0x60  }
0xae: {  	[dreg:$0x2] =	wrdreg s2  }
0xaf: {  	[dreg:$0x3] =	wrdreg s24  }
0xb0: {  	[dreg:$0x4] =	wrdreg $0x9  }
0xb1: {  	_ =	task.clear_ibuf [dreg:s7], $0x5FFFF;
	_ =	strace $0x90000046  }
0xb2: {  	s29 =	simm.s32 $0x9;
	_ =	strace $0x80000048  }
0xb3: {  	_ =	swait.ge [sflag:s29], $0x1  }
0xb4: {  	[sflag:s29] =	ssyncadd.s32 $0xFFFFFFFF  }
0xb5: {  	_ =	strace $0x90000048  }
0xb6: {  	_ =	sfence  }
0xb7: {  	s30 =	sld [smem:$0x0];
	_ =	sdelay $0x2  }
0xb8: {  	s31 =	sshll.u32 s1, $0xD;
	s1 =	sshrl.u32 s1, $0x2  }
0xb9: {  	s3 =	sand.u32 $0x4000, s31;
	s1 =	sadd.s32 s1, s30  }
0xba: {  	s0 =	sor.u32 s3, s0;
	s1 =	sshll.u32 s1, $0x11  }
0xbb: {  	s0 =	sor.u32 s1, s0  }
0xbc: {  	s0 =	sadd.s32 $0x8F2B, s0  }
0xbd: {  	[sflag:s0] =	ssyncadd.remote.s32 $0x1  }
0xbe: {  	_ =	sfence.sel $0xFFFF  }
0xbf: {  	[dreg:$0x0] =	wrdreg $0xFFFFFFFF;
	(pc) =	sbr.abs _section_cstart, $3  }
0xc0: {  	[dreg:$0x1] =	wrdreg $0xFFFFFFFF  }
0xc1: {  	_ =	task.clear_ibuf [dreg:s7], $0x2FFFF;
	_ =	strace $0x9FFFFFFF  }
0xc2: {  	(tm) =	ssettm $0x7FFFFFFF  }
0xc3: {  	_ =	shalt  }
tec
execute0_lowered:
.L_overlay_start_1:
0x0: {  	(tag) =	ssettag $0x1  }
0x1: {  	s1 =	rddreg [dreg:$0x0]  }
0x2: {  	s6 =	rddreg [dreg:$0x1]  }
0x3: {  	s0 =	rddreg [dreg:$0x2];
	s2 =	simm.s32 $0x0  }
0x4: {  	s3 =	srdreg.scid;
	s13 =	simm.s32 $0x8100;
	s14 =	simm.s32 $0x2  }
0x5: {  	s15 =	simm.s32 $0x14200;
	s16 =	simm.s32 $0x3;
	s17 =	simm.s32 $0x4  }
0x6: {  	s18 =	simm.s32 $0x0;
	[smem:$0x7FF] =	sst s2;
	s4 =	sadd.s32 $0xAC00, s6  }
0x7: {  	s7 =	sand.u32 $0x1, s3;
	s5 =	sadd.s32 $0xE00, s6;
	s3 =	stileid.u32  }
0x8: {  	s6 =	sadd.s32 $0x14A00, s6;
	_ =	strace $0x80000047;
	s8 =	ssub.s32 $0x2, s7  }
0x9: {  	s10 =	sshll.u32 s3, $0x1;
	p0 =	slt.u32 s3, $0x2;
	s31 =	sshll.u32 s3, $0x8  }
.Ltmp0:
0xa: {  	s9 =	sshrl.u32 s8, $0x1;
	s10 =	sor.u32 s7, s10;
	(pc) =	sbr.rel .LBB2_1-.Ltmp0, $4  }
0xb: {  	s7 =	simm.s32 $0x4F;
	s11 =	ssub.s32 s8, s9;
	s12 =	sshll.u32 s10, $0x7  }
0xc: {  	s8 =	simm.s32 $0x28;
	s9 =	sand.u32 $0xC00, s31;
	s7 =	simm.s32 @!p0 $0x4E  }
0xd: {  	s10 =	sshll.u32 s10, $0xE;
	s12 =	sand.u32 $0x380, s12;
	s8 =	simm.s32 @!p0 $0x27  }
0xe: {  	s11 =	smax.u32 s11, $0x1;
	s9 =	sor.u32 s12, s9;
	s12 =	simm.s32 $0x1  }
.LBB2_11:
0xf: {  	s18 =	sadd.s32 $0x1, s18  }
0x10: {  	_ =	swait.ge [sflag:s16], $0x4000;
	p0 =	sne.s32 s18, s11  }
.Ltmp1:
0x11: {  	[sflag:s16] =	ssyncset.done $0x0;
	(pc) =	sbr.rel @!p0 .LBB2_12-.Ltmp1, $4  }
0x12: {  	[sflag:s16] =	ssyncadd.s32 $0xFFFFC000  }
0x13: {  	_ =	swait.ge [sflag:s17], $0x4000  }
0x14: {  	[sflag:s17] =	ssyncset.done $0x0  }
0x15: {  	[sflag:s17] =	ssyncadd.s32 $0xFFFFC000  }
.LBB2_1:
.Ltmp2:
0x16: {  	(pc) =	sbr.rel .LBB2_2-.Ltmp2, $2  }
0x17: {  	_ =	sdelay $0x2  }
0x18: {  	s19 =	simm.s32 $0x0  }
.LBB2_10:
0x19: {  	s19 =	sadd.s32 $0x1, s19  }
0x1a: {  	p0 =	sne.s32 s19, s8  }
.Ltmp3:
0x1b: {  	_ = 	snop;
	(pc) =	sbr.rel @!p0 .LBB2_11-.Ltmp3, $1  }
0x1c: {  	_ =	sdelay $0x3  }
.LBB2_2:
0x1d: {  	s20 =	sshll.u32 s19, $0x1  }
0x1e: {  	p1 =	sge.u32 s20, s7  }
0x1f: {  	s21 =	sshll.u32 @!p1 s19, $0xD  }
0x20: {  	s21 =	sor.u32 @!p1 s9, s21  }
0x21: {  	s21 =	sshrl.u32 @!p1 s21, $0x3  }
0x22: {  	s23 =	simm.s32 @!p1 $0x0;
	s22 =	sadd.s32 @!p1 s4, s21  }
0x23: {  	[tilespmem:s23], [sflag:$0x5] =	stream.linear.gather @!p1 [hbm4b:s22+s23], $0x80, $0x38;
	[tilespmem:$0x18200] =	vst v63  }
0x24: {  	s22 =	simm.s32 @!p1 $0x5  }
0x25: {  	_ =	swait.ge @!p1 [sflag:s22], $0x80  }
0x26: {  	[sflag:s22] =	ssyncset.done @!p1 $0x0  }
0x27: {  	s24 =	simm.s32 @!p1 $0x80;
	s21 =	sadd.s32 @!p1 s5, s21;
	[sflag:s22] =	ssyncadd.s32 @!p1 $0xFFFFFF80  }
0x28: {  	[tilespmem:s24], [sflag:$0x5] =	stream.linear.gather @!p1 [hbm4b:s21+s23], $0x80, $0x38;
	[tilespmem:$0x18200] =	vst v63  }
0x29: {  	_ =	swait.ge @!p1 [sflag:s22], $0x80  }
0x2a: {  	[sflag:s22] =	ssyncset.done @!p1 $0x0  }
0x2b: {  	s20 =	sor.u32 $0x1, s20;
	s21 =	simm.s32 @!p1 $0x100;
	[sflag:s22] =	ssyncadd.s32 @!p1 $0xFFFFFF80  }
0x2c: {  	[tilespmem:s21], [sflag:$0x1] =	stream.indirect.gather @!p1 [hbm4b:s1+s24], $0x80, s23, s24, $0xb8;
	[tilespmem:$0x18200] =	vst v63  }
0x2d: {  	p0 =	sge.u32 s20, s7;
	s21 =	simm.s32 @!p1 $0x4100  }
0x2e: {  	[tilespmem:s21], [sflag:$0x1] =	stream.indirect.gather @!p1 [hbm4b:s1+s24], $0x80, s24, s24, $0xb8;
	[tilespmem:$0x18200] =	vst v63  }
0x2f: {  	s21 =	sshll.u32 @!p0 s20, $0xC  }
0x30: {  	s21 =	sor.u32 @!p0 s9, s21  }
0x31: {  	s21 =	sshrl.u32 @!p0 s21, $0x3  }
0x32: {  	s23 =	simm.s32 @!p0 $0x0;
	s24 =	simm.s32 @!p0 $0xC100;
	s22 =	sadd.s32 @!p0 s4, s21  }
0x33: {  	[tilespmem:s24], [sflag:$0x5] =	stream.linear.gather @!p0 [hbm4b:s22+s23], $0x80, $0x38;
	[tilespmem:$0x18200] =	vst v63  }
0x34: {  	s22 =	simm.s32 @!p0 $0x5  }
0x35: {  	_ =	swait.ge @!p0 [sflag:s22], $0x80  }
0x36: {  	[sflag:s22] =	ssyncset.done @!p0 $0x0  }
0x37: {  	s25 =	simm.s32 @!p0 $0xC180;
	s21 =	sadd.s32 @!p0 s5, s21;
	[sflag:s22] =	ssyncadd.s32 @!p0 $0xFFFFFF80  }
0x38: {  	[tilespmem:s25], [sflag:$0x5] =	stream.linear.gather @!p0 [hbm4b:s21+s23], $0x80, $0x38;
	[tilespmem:$0x18200] =	vst v63  }
0x39: {  	_ =	swait.ge @!p0 [sflag:s22], $0x80  }
.Ltmp4:
0x3a: {  	[sflag:s22] =	ssyncset.done @!p0 $0x0;
	(pc) =	sbr.rel @p1 .LBB2_6-.Ltmp4, $4  }
0x3b: {  	s21 =	simm.s32 @!p0 $0x80;
	[sflag:s22] =	ssyncadd.s32 @!p0 $0xFFFFFF80;
	s22 =	simm.s32 @!p0 $0xC200  }
0x3c: {  	[tilespmem:s22], [sflag:$0x2] =	stream.indirect.gather @!p0 [hbm4b:s1+s21], $0x80, s24, s21, $0xb8;
	[tilespmem:$0x18200] =	vst v63  }
0x3d: {  	s22 =	simm.s32 @!p0 $0x10200  }
0x3e: {  	[tilespmem:s22], [sflag:$0x2] =	stream.indirect.gather @!p0 [hbm4b:s1+s21], $0x80, s25, s21, $0xb8;
	[tilespmem:$0x18200] =	vst v63  }
0x3f: {  	_ =	swait.ge [sflag:s12], $0x4000  }
0x40: {  	[sflag:s12] =	ssyncset.done $0x0  }
0x41: {  	[sflag:s12] =	ssyncadd.s32 $0xFFFFC000  }
0x42: {  	_ =	swait.ge [sflag:s12], $0x4000  }
0x43: {  	p1 =	seq.s32 s19, $0x0;
	[sflag:s12] =	ssyncset.done $0x0  }
0x44: {  	s21 =	simm.s32 @!p1 $0x3;
	[sflag:s12] =	ssyncadd.s32 $0xFFFFC000  }
0x45: {  	_ =	swait.ge @!p1 [sflag:s21], $0x4000  }
0x46: {  	[sflag:s21] =	ssyncset.done @!p1 $0x0  }
0x47: {  	[sflag:s21] =	ssyncadd.s32 @!p1 $0xFFFFC000;
	s21 =	simm.s32 $0x0  }
0x48: {  	v0 =	vld [tilespmem:s21+$0x170]  }
0x49: {  	v1 =	vld [tilespmem:s21+$0x4170]  }
0x4a: {  	v2 =	vld [tilespmem:s21+$0x100]  }
0x4b: {  	v3 =	vld [tilespmem:s21+$0x4100]  }
0x4c: {  	v4 =	vld [tilespmem:s21+$0x110]  }
0x4d: {  	v5 =	vld [tilespmem:s21+$0x4110]  }
0x4e: {  	v6 =	vld [tilespmem:s21+$0x120]  }
0x4f: {  	v7 =	vld [tilespmem:s21+$0x130]  }
0x50: {  	v0 =	vadd.f32 v1, v0;
	v1 =	vld [tilespmem:s21+$0x4120]  }
0x51: {  	v8 =	vld [tilespmem:s21+$0x4130]  }
0x52: {  	v9 =	vld [tilespmem:s21+$0x4140];
	v2 =	vadd.f32 v3, v2  }
0x53: {  	[tilespmem:s21+$0x8170] =	vst v0;
	v0 =	vadd.f32 v5, v4;
	v5 =	vld [tilespmem:s21+$0x140]  }
0x54: {  	v3 =	vld [tilespmem:s21+$0x4150];
	[tilespmem:s21+$0x8100] =	vst v2  }
0x55: {  	v2 =	vld [tilespmem:s21+$0x150];
	[tilespmem:s21+$0x8110] =	vst v0;
	v0 =	vadd.f32 v1, v6  }
0x56: {  	v4 =	vld [tilespmem:s21+$0x4160];
	v6 =	vadd.f32 v8, v7  }
0x57: {  	s22 =	simm.s32 $0x80;
	[tilespmem:s21+$0x8120] =	vst v0;
	v0 =	vld [tilespmem:s21+$0x160]  }
0x58: {  	s23 =	simm.s32 $0x400;
	v5 =	vadd.f32 v9, v5;
	v1 =	vld [tilespmem:s22+$0x170];
	[tilespmem:s21+$0x8130] =	vst v6  }
.LBB2_4:
0x59: {  	p1 =	sne.s32 s23, $0xFE00;
	v6 =	vld [tilespmem:s22+$0x4170]  }
0x5a: {  	v7 =	vld [tilespmem:s22+$0x100];
	[tilespmem:s21+$0x8140] =	vst v5;
	v2 =	vadd.f32 v3, v2  }
0x5b: {  	v3 =	vld [tilespmem:s22+$0x4100]  }
0x5c: {  	v5 =	vld [tilespmem:s22+$0x110];
	[tilespmem:s21+$0x8150] =	vst v2;
	v0 =	vadd.f32 v4, v0  }
0x5d: {  	v2 =	vld [tilespmem:s22+$0x4110]  }
0x5e: {  	v4 =	vld [tilespmem:s22+$0x120];
	v1 =	vadd.f32 v6, v1;
	[tilespmem:s21+$0x8160] =	vst v0;
	s21 =	smov.u32 s22  }
0x5f: {  	v0 =	vld [tilespmem:s21+$0x4120]  }
0x60: {  	v3 =	vadd.f32 v3, v7;
	v6 =	vld [tilespmem:s21+$0x130];
	[tilespmem:s21+$0x8170] =	vst v1  }
0x61: {  	v1 =	vld [tilespmem:s21+$0x4130]  }
0x62: {  	[tilespmem:s21+$0x8100] =	vst v3;
	v2 =	vadd.f32 v2, v5;
	v5 =	vld [tilespmem:s21+$0x140]  }
0x63: {  	v7 =	vld [tilespmem:s21+$0x4140]  }
.Ltmp5:
0x64: {  	[tilespmem:s21+$0x8110] =	vst v2;
	v0 =	vadd.f32 v0, v4;
	v2 =	vld [tilespmem:s21+$0x150];
	(pc) =	sbr.rel @p1 .LBB2_4-.Ltmp5, $4  }
0x65: {  	v3 =	vld [tilespmem:s21+$0x4150]  }
0x66: {  	[tilespmem:s21+$0x8120] =	vst v0;
	v6 =	vadd.f32 v1, v6;
	v0 =	vld [tilespmem:s21+$0x160]  }
0x67: {  	s22 =	sshra.s32 s23, $0x2;
	v4 =	vld [tilespmem:s21+$0x4160]  }
0x68: {  	s23 =	sadd.s32 $0x200, s23;
	v1 =	vld [tilespmem:s22+$0x170];
	[tilespmem:s21+$0x8130] =	vst v6;
	v5 =	vadd.f32 v7, v5  }
0x69: {  	v6 =	vld [tilespmem:s22+$0x4170]  }
0x6a: {  	v7 =	vld [tilespmem:s22+$0x100];
	[tilespmem:s21+$0x8140] =	vst v5;
	v2 =	vadd.f32 v3, v2  }
0x6b: {  	v51 =	vld [tilespmem:s22+$0x4100]  }
0x6c: {  	v5 =	vld [tilespmem:s22+$0x110];
	[tilespmem:s21+$0x8150] =	vst v2;
	v0 =	vadd.f32 v4, v0  }
0x6d: {  	v2 =	vld [tilespmem:s22+$0x4110]  }
0x6e: {  	v52 =	vld [tilespmem:s22+$0x120];
	[tilespmem:s21+$0x8160] =	vst v0  }
0x6f: {  	v54 =	vld [tilespmem:s22+$0x4120]  }
0x70: {  	v55 =	vld [tilespmem:s22+$0x130]  }
0x71: {  	v56 =	vld [tilespmem:s22+$0x4130]  }
0x72: {  	v57 =	vld [tilespmem:s22+$0x140]  }
0x73: {  	v58 =	vld [tilespmem:s22+$0x4140]  }
0x74: {  	v59 =	vld [tilespmem:s22+$0x150]  }
0x75: {  	v53 =	vadd.f32 v6, v1;
	v60 =	vld [tilespmem:s22+$0x4150]  }
0x76: {  	v61 =	vld [tilespmem:s22+$0x160];
	v3 =	vadd.f32 v51, v7  }
0x77: {  	v62 =	vld [tilespmem:s22+$0x4160];
	[tilespmem:s22+$0x8170] =	vst v53;
	v2 =	vadd.f32 v2, v5  }
0x78: {  	[tilespmem:s22+$0x8100] =	vst v3;
	v1 =	vadd.f32 v54, v52  }
0x79: {  	[tilespmem:s22+$0x8110] =	vst v2;
	v0 =	vadd.f32 v56, v55  }
0x7a: {  	v3 =	vadd.f32 v58, v57;
	[tilespmem:s22+$0x8120] =	vst v1  }
0x7b: {  	s31 =	sshll.u32 s19, $0x14;
	v63 =	vadd.f32 v60, v59;
	[tilespmem:s22+$0x8130] =	vst v0  }
0x7c: {  	s21 =	sor.u32 s10, s31;
	[tilespmem:s22+$0x8140] =	vst v3;
	v1 =	vadd.f32 v62, v61  }
0x7d: {  	s21 =	sshrl.u32 s21, $0x3;
	[tilespmem:s22+$0x8150] =	vst v63  }
0x7e: {  	s21 =	sadd.s32 s6, s21;
	[tilespmem:s22+$0x8160] =	vst v1  }
0x7f: {  	[hbm4b:s21+s2] =	stream.linear.scatter [tilespmem:s13], [sflag:$0x3], $0x4000, $0x38;
	[tilespmem:$0x18200] =	vst v63  }
.LBB2_6:
.Ltmp6:
0x80: {  	(pc) =	sbr.rel @p0 .LBB2_10-.Ltmp6, $1  }
0x81: {  	_ =	sdelay $0x3  }
0x82: {  	_ =	swait.ge [sflag:s14], $0x4000  }
0x83: {  	[sflag:s14] =	ssyncset.done $0x0  }
0x84: {  	[sflag:s14] =	ssyncadd.s32 $0xFFFFC000  }
0x85: {  	_ =	swait.ge [sflag:s14], $0x4000  }
0x86: {  	p0 =	seq.s32 s19, $0x0;
	[sflag:s14] =	ssyncset.done $0x0  }
0x87: {  	s21 =	simm.s32 @!p0 $0x4;
	[sflag:s14] =	ssyncadd.s32 $0xFFFFC000  }
0x88: {  	_ =	swait.ge @!p0 [sflag:s21], $0x4000  }
0x89: {  	[sflag:s21] =	ssyncset.done @!p0 $0x0  }
0x8a: {  	[sflag:s21] =	ssyncadd.s32 @!p0 $0xFFFFC000;
	s21 =	simm.s32 $0x0  }
0x8b: {  	v0 =	vld [tilespmem:s21+$0xC270]  }
0x8c: {  	v1 =	vld [tilespmem:s21+$0x10270]  }
0x8d: {  	v2 =	vld [tilespmem:s21+$0xC200]  }
0x8e: {  	v3 =	vld [tilespmem:s21+$0x10200]  }
0x8f: {  	v4 =	vld [tilespmem:s21+$0xC210]  }
0x90: {  	v5 =	vld [tilespmem:s21+$0x10210]  }
0x91: {  	v6 =	vld [tilespmem:s21+$0xC220]  }
0x92: {  	v7 =	vld [tilespmem:s21+$0xC230]  }
0x93: {  	v0 =	vadd.f32 v1, v0;
	v1 =	vld [tilespmem:s21+$0x10220]  }
0x94: {  	v8 =	vld [tilespmem:s21+$0x10230]  }
0x95: {  	v9 =	vld [tilespmem:s21+$0x10240];
	v2 =	vadd.f32 v3, v2  }
0x96: {  	[tilespmem:s21+$0x14270] =	vst v0;
	v0 =	vadd.f32 v5, v4;
	v5 =	vld [tilespmem:s21+$0xC240]  }
0x97: {  	v3 =	vld [tilespmem:s21+$0x10250];
	[tilespmem:s21+$0x14200] =	vst v2  }
0x98: {  	v2 =	vld [tilespmem:s21+$0xC250];
	[tilespmem:s21+$0x14210] =	vst v0;
	v0 =	vadd.f32 v1, v6  }
0x99: {  	v4 =	vld [tilespmem:s21+$0x10260];
	v6 =	vadd.f32 v8, v7  }
0x9a: {  	s22 =	simm.s32 $0x80;
	[tilespmem:s21+$0x14220] =	vst v0;
	v0 =	vld [tilespmem:s21+$0xC260]  }
0x9b: {  	s23 =	simm.s32 $0x400;
	v5 =	vadd.f32 v9, v5;
	v1 =	vld [tilespmem:s22+$0xC270];
	[tilespmem:s21+$0x14230] =	vst v6  }
.LBB2_8:
0x9c: {  	p0 =	sne.s32 s23, $0xFE00;
	v6 =	vld [tilespmem:s22+$0x10270]  }
0x9d: {  	v7 =	vld [tilespmem:s22+$0xC200];
	[tilespmem:s21+$0x14240] =	vst v5;
	v2 =	vadd.f32 v3, v2  }
0x9e: {  	v3 =	vld [tilespmem:s22+$0x10200]  }
0x9f: {  	v5 =	vld [tilespmem:s22+$0xC210];
	[tilespmem:s21+$0x14250] =	vst v2;
	v0 =	vadd.f32 v4, v0  }
0xa0: {  	v2 =	vld [tilespmem:s22+$0x10210]  }
0xa1: {  	v4 =	vld [tilespmem:s22+$0xC220];
	v1 =	vadd.f32 v6, v1;
	[tilespmem:s21+$0x14260] =	vst v0;
	s21 =	smov.u32 s22  }
0xa2: {  	v0 =	vld [tilespmem:s21+$0x10220]  }
0xa3: {  	v3 =	vadd.f32 v3, v7;
	v6 =	vld [tilespmem:s21+$0xC230];
	[tilespmem:s21+$0x14270] =	vst v1  }
0xa4: {  	v1 =	vld [tilespmem:s21+$0x10230]  }
0xa5: {  	[tilespmem:s21+$0x14200] =	vst v3;
	v2 =	vadd.f32 v2, v5;
	v5 =	vld [tilespmem:s21+$0xC240]  }
0xa6: {  	v7 =	vld [tilespmem:s21+$0x10240]  }
.Ltmp7:
0xa7: {  	[tilespmem:s21+$0x14210] =	vst v2;
	v0 =	vadd.f32 v0, v4;
	v2 =	vld [tilespmem:s21+$0xC250];
	(pc) =	sbr.rel @p0 .LBB2_8-.Ltmp7, $4  }
0xa8: {  	v3 =	vld [tilespmem:s21+$0x10250]  }
0xa9: {  	[tilespmem:s21+$0x14220] =	vst v0;
	v6 =	vadd.f32 v1, v6;
	v0 =	vld [tilespmem:s21+$0xC260]  }
0xaa: {  	s22 =	sshra.s32 s23, $0x2;
	v4 =	vld [tilespmem:s21+$0x10260]  }
0xab: {  	s23 =	sadd.s32 $0x200, s23;
	v1 =	vld [tilespmem:s22+$0xC270];
	[tilespmem:s21+$0x14230] =	vst v6;
	v5 =	vadd.f32 v7, v5  }
0xac: {  	v6 =	vld [tilespmem:s22+$0x10270]  }
0xad: {  	v7 =	vld [tilespmem:s22+$0xC200];
	[tilespmem:s21+$0x14240] =	vst v5;
	v2 =	vadd.f32 v3, v2  }
0xae: {  	v51 =	vld [tilespmem:s22+$0x10200]  }
0xaf: {  	v5 =	vld [tilespmem:s22+$0xC210];
	[tilespmem:s21+$0x14250] =	vst v2;
	v0 =	vadd.f32 v4, v0  }
0xb0: {  	v2 =	vld [tilespmem:s22+$0x10210]  }
0xb1: {  	v52 =	vld [tilespmem:s22+$0xC220];
	[tilespmem:s21+$0x14260] =	vst v0  }
0xb2: {  	v54 =	vld [tilespmem:s22+$0x10220]  }
0xb3: {  	v55 =	vld [tilespmem:s22+$0xC230]  }
0xb4: {  	v56 =	vld [tilespmem:s22+$0x10230]  }
0xb5: {  	v57 =	vld [tilespmem:s22+$0xC240]  }
0xb6: {  	v58 =	vld [tilespmem:s22+$0x10240]  }
0xb7: {  	v59 =	vld [tilespmem:s22+$0xC250]  }
0xb8: {  	v53 =	vadd.f32 v6, v1;
	v60 =	vld [tilespmem:s22+$0x10250]  }
0xb9: {  	v61 =	vld [tilespmem:s22+$0xC260];
	v3 =	vadd.f32 v51, v7  }
0xba: {  	v62 =	vld [tilespmem:s22+$0x10260];
	[tilespmem:s22+$0x14270] =	vst v53;
	v2 =	vadd.f32 v2, v5  }
0xbb: {  	[tilespmem:s22+$0x14200] =	vst v3;
	v1 =	vadd.f32 v54, v52  }
0xbc: {  	[tilespmem:s22+$0x14210] =	vst v2;
	v0 =	vadd.f32 v56, v55  }
0xbd: {  	v3 =	vadd.f32 v58, v57;
	[tilespmem:s22+$0x14220] =	vst v1  }
.Ltmp8:
0xbe: {  	s20 =	sshll.u32 s20, $0x13;
	v63 =	vadd.f32 v60, v59;
	[tilespmem:s22+$0x14230] =	vst v0;
	(pc) =	sbr.rel .LBB2_10-.Ltmp8, $4  }
0xbf: {  	s20 =	sor.u32 s10, s20;
	[tilespmem:s22+$0x14240] =	vst v3;
	v1 =	vadd.f32 v62, v61  }
0xc0: {  	s20 =	sshrl.u32 s20, $0x3;
	[tilespmem:s22+$0x14250] =	vst v63  }
0xc1: {  	s20 =	sadd.s32 s6, s20;
	[tilespmem:s22+$0x14260] =	vst v1  }
0xc2: {  	[hbm4b:s20+s2] =	stream.linear.scatter [tilespmem:s15], [sflag:$0x4], $0x4000, $0x38;
	[tilespmem:$0x18200] =	vst v63  }
.LBB2_12:
0xc3: {  	_ =	sfence.sel $0x180000  }
0xc4: {  	[bflag:$0x0] =	sbarrier.arrive $0xFFFF  }
0xc5: {  	p0 =	sne.s32 s3, $0x0;
	_ =	strace $0x90000047  }
0xc6: {  	s0 =	sadd.s32 @!p0 $0x100000, s0;
	[bflag:$0x2] =	sbarrier.arrive $0xFFFF  }
0xc7: {  	[sflag:s0] =	ssyncadd.tile.s32 @!p0 $0x1;
	_ =	shalt  }
.Lfunc_end2:
_tile_overlayer_lowered:
.L_overlay_start_2:
0xc8: {  	(tag) =	ssettag $0x2  }
0xc9: {  	s0 =	rddreg [dreg:$0x0];
	s2 =	stileid.u32  }
0xca: {  	s1 =	rddreg [dreg:$0x1];
	p0 =	sne.s32 s2, $0x0  }
0xcb: {  	s3 =	rddreg [dreg:$0x2];
	[bflag:$0x3] =	sbarrier.arrive $0xFFFF;
	s2 =	simm.s32 @!p0 $0x1C05  }
0xcc: {  	[timem:s3], [sflag:s2] =	dma.local @!p0 [hbm:s0], s1  }
0xcd: {  	s0 =	simm.s32 @!p0 $0x5  }
0xce: {  	_ =	swait.ge @!p0 [sflag:s0], s1  }
0xcf: {  	s1 =	ssub.s32 @!p0 $0x0, s1;
	[sflag:s0] =	ssyncset.done @!p0 $0x0  }
0xd0: {  	[sflag:s0] =	ssyncadd.s32 @!p0 s1  }
0xd1: {  	[bflag:$0x3] =	sbarrier.arrive $0xFFFF  }
0xd2: {  	_ =	shalt  }

</sc_bundles>
